<compile_context>
chip_gen: v7x
topology: tpu7x:2x2x1
jax: 0.10.2.dev20260603
libtpu: 0.0.44.dev20260713+nightly
codegen_flags: <defaults>
</compile_context>

<pallas_src>
import functools

import jax
import jax.numpy as jnp
from jax import lax
from jax.experimental import pallas as pl
from jax.experimental.pallas import tpu as pltpu
from jax.experimental.pallas import tpu_sc as plsc

_B = 4096
_D = 1024
_NC = 2
_NS = 16
_NW = _NC * _NS
_L = 16
_BPW = _B // _NW
_CH = 8
_NCHUNK = _BPW // _CH
_NBUF = 4
_UNROLL = 8


@functools.partial(
    pl.kernel,
    out_type=jax.ShapeDtypeStruct((_NW, _L), jnp.float32),
    mesh=plsc.VectorSubcoreMesh(core_axis_name="c", subcore_axis_name="s"),
    scratch_types=[
        pltpu.VMEM((_BPW,), jnp.int32),
        pltpu.VMEM((_CH, _D), jnp.float32),
        pltpu.VMEM((_CH, _D), jnp.float32),
        pltpu.VMEM((_CH, _D), jnp.float32),
        pltpu.VMEM((_CH, _D), jnp.float32),
        pltpu.VMEM((_CH, _D), jnp.float32),
        pltpu.VMEM((_CH, _D), jnp.float32),
        pltpu.VMEM((_CH, _D), jnp.float32),
        pltpu.VMEM((_CH, _D), jnp.float32),
        pltpu.VMEM((_L,), jnp.float32),
        pltpu.SemaphoreType.DMA,
        pltpu.SemaphoreType.DMA,
        pltpu.SemaphoreType.DMA,
        pltpu.SemaphoreType.DMA,
        pltpu.SemaphoreType.DMA,
        pltpu.SemaphoreType.DMA,
        pltpu.SemaphoreType.DMA,
        pltpu.SemaphoreType.DMA,
    ],
)
def _center_loss_partials(x_hbm, y_hbm, tab_hbm, out_hbm,
                          idx_v, xb0, cb0, xb1, cb1, xb2, cb2, xb3, cb3,
                          accv,
                          sx0, sc0, sx1, sc1, sx2, sc2, sx3, sc3):
    wid = lax.axis_index("s") * _NC + lax.axis_index("c")
    base = wid * _BPW

    xbs = (xb0, xb1, xb2, xb3)
    cbs = (cb0, cb1, cb2, cb3)
    sxs = (sx0, sx1, sx2, sx3)
    scs = (sc0, sc1, sc2, sc3)

    def start(ch, b):
        row0 = base + ch * _CH
        pltpu.async_copy(x_hbm.at[pl.ds(row0, _CH)], xbs[b], sxs[b])
        pltpu.async_copy(tab_hbm.at[idx_v.at[pl.ds(ch * _CH, _CH)]],
                         cbs[b], scs[b])

    def wait(b):
        pltpu.make_async_copy(x_hbm.at[pl.ds(0, _CH)], xbs[b], sxs[b]).wait()
        pltpu.make_async_copy(tab_hbm.at[pl.ds(0, _CH)], cbs[b], scs[b]).wait()

    def compute(b, acc):
        xb, cb = xbs[b], cbs[b]

        def row_body(r, a):
            def jj_body(jj, a2):
                col = jj * (_UNROLL * _L)
                p0 = None
                p1 = None
                for k in range(_UNROLL):
                    xv = xb[r, pl.ds(col + k * _L, _L)]
                    cv = cb[r, pl.ds(col + k * _L, _L)]
                    dv = xv - cv
                    dd = dv * dv
                    if k % 2 == 0:
                        p0 = dd if p0 is None else p0 + dd
                    else:
                        p1 = dd if p1 is None else p1 + dd
                return a2 + (p0 + p1)

            return lax.fori_loop(0, _D // (_UNROLL * _L), jj_body, a)

        return lax.fori_loop(0, _CH, row_body, acc)

    for b in range(_NBUF - 1):
        row0 = base + b * _CH
        pltpu.async_copy(x_hbm.at[pl.ds(row0, _CH)], xbs[b], sxs[b])
    pltpu.sync_copy(y_hbm.at[pl.ds(base, _BPW)], idx_v)
    for b in range(_NBUF - 1):
        pltpu.async_copy(tab_hbm.at[idx_v.at[pl.ds(b * _CH, _CH)]],
                         cbs[b], scs[b])

    def quad_body(t, acc):
        ch0 = 4 * t
        for b in range(_NBUF):
            wait(b)
            acc = compute(b, acc)
            nxt = ch0 + b + (_NBUF - 1)

            @pl.when(nxt < _NCHUNK)
            def _():
                start(nxt, (b + 3) % _NBUF)

        return acc

    acc = lax.fori_loop(0, _NCHUNK // _NBUF, quad_body,
                        jnp.zeros((_L,), jnp.float32))
    accv[...] = acc
    pltpu.sync_copy(accv, out_hbm.at[wid])


def kernel(output_features, y_truth, feature_centers):
    batch = y_truth.shape[0]
    x = output_features.reshape(batch, -1)
    partials = _center_loss_partials(
        x, y_truth.astype(jnp.int32), feature_centers)
    return (0.5 / batch) * jnp.sum(partials)

# --- scband reference (transcript-rebuilt; emitter-appended) ---
"""Pipeline reference for scband-center-loss-36618891166021 (READ-ONLY COPY).

The authoritative reference and input builder live on the scoring server;
editing this copy changes nothing except your own understanding.
"""

import jax, jax.numpy as jnp
import numpy as np

NUM_CLASS = 10000
FEAT_DIM = 1024
BATCH = 4096
LAMDA = 1.0
SCALE = 1.0


def setup_inputs(seed: int = 0) -> dict:
    key = jax.random.key(seed)
    k1, k2, k3 = jax.random.split(key, 3)
    output_features = jax.random.normal(k1, (BATCH, FEAT_DIM), dtype=jnp.float32)
    y_truth = jax.random.randint(k2, (BATCH,), 0, NUM_CLASS, dtype=jnp.int64)
    feature_centers = jax.random.normal(k3, (NUM_CLASS, FEAT_DIM), dtype=jnp.float32)
    return {"output_features": output_features, "y_truth": y_truth, "feature_centers": feature_centers}


def reference(output_features, y_truth, feature_centers):
    batch_size = y_truth.shape[0]
    x = output_features.reshape(batch_size, -1)
    factor = SCALE / batch_size
    centers_batch = jnp.take(feature_centers, y_truth, axis=0)
    diff = x - centers_batch
    loss = LAMDA * 0.5 * factor * jnp.sum(diff ** 2)
    return loss

if __name__ == "__main__":
    import jax
    _d = setup_inputs()
    print(jax.jit(kernel)(*tuple(_d.values())))

</pallas_src>

<mosaic_0001>
#map = affine_map<(d0, d1) -> (0, 0)>
#map1 = affine_map<(d0, d1) -> (0)>
module attributes {stable_mosaic.version = 14 : i64} {
  func.func @_center_loss_partials(%arg0: i32, %arg1: i32, %arg2: memref<4096x1024xf32, #tpu.memory_space<hbm>>, %arg3: memref<4096xi32, #tpu.memory_space<hbm>>, %arg4: memref<10000x1024xf32, #tpu.memory_space<hbm>>, %arg5: memref<32x16xf32, #tpu.memory_space<hbm>>, %arg6: memref<128xi32, #tpu.memory_space<vmem>>, %arg7: memref<8x1024xf32, #tpu.memory_space<vmem>>, %arg8: memref<8x1024xf32, #tpu.memory_space<vmem>>, %arg9: memref<8x1024xf32, #tpu.memory_space<vmem>>, %arg10: memref<8x1024xf32, #tpu.memory_space<vmem>>, %arg11: memref<8x1024xf32, #tpu.memory_space<vmem>>, %arg12: memref<8x1024xf32, #tpu.memory_space<vmem>>, %arg13: memref<8x1024xf32, #tpu.memory_space<vmem>>, %arg14: memref<8x1024xf32, #tpu.memory_space<vmem>>, %arg15: memref<16xf32, #tpu.memory_space<vmem>>, %arg16: memref<!tpu.dma_semaphore, #tpu.memory_space<semaphore_mem>>, %arg17: memref<!tpu.dma_semaphore, #tpu.memory_space<semaphore_mem>>, %arg18: memref<!tpu.dma_semaphore, #tpu.memory_space<semaphore_mem>>, %arg19: memref<!tpu.dma_semaphore, #tpu.memory_space<semaphore_mem>>, %arg20: memref<!tpu.dma_semaphore, #tpu.memory_space<semaphore_mem>>, %arg21: memref<!tpu.dma_semaphore, #tpu.memory_space<semaphore_mem>>, %arg22: memref<!tpu.dma_semaphore, #tpu.memory_space<semaphore_mem>>, %arg23: memref<!tpu.dma_semaphore, #tpu.memory_space<semaphore_mem>>) attributes {dimension_semantics = [#tpu.dimension_semantics<core_parallel>, #tpu.dimension_semantics<subcore_parallel>], iteration_bounds = array<i64: 2, 16>, scalar_prefetch = 0 : i64, scratch_operands = 18 : i64, tpu.core_type = #tpu.core_type<sc_vector_subcore>, window_params = [{transform_indices = #map}, {transform_indices = #map1}, {transform_indices = #map}, {transform_indices = #map}]} {
    %mul3A = arith.constant 2 : i32
    %mul3A_0 = arith.muli %arg1, %mul3A : i32
    %add3A = arith.addi %mul3A_0, %arg0 : i32
    %mul3A_1 = arith.constant 128 : i32
    %mul3A_2 = arith.muli %add3A, %mul3A_1 : i32
    %add3A_3 = arith.constant 0 : i32
    %add3A_4 = arith.addi %mul3A_2, %add3A_3 : i32
    %dma_start3A = arith.constant 0 : i32
    %dma_start3A_5 = tpu.memref_slice %arg2[%add3A_4, %dma_start3A] : memref<4096x1024xf32, #tpu.memory_space<hbm>> -> memref<8x1024xf32, #tpu.memory_space<hbm>>
    %dma_start3A_6 = arith.constant 0 : i32
    %dma_start3A_7 = tpu.memref_slice %arg2[%add3A_4, %dma_start3A_6] : memref<4096x1024xf32, #tpu.memory_space<hbm>> -> memref<8x1024xf32, #tpu.memory_space<hbm>>
    tpu.enqueue_dma source(%dma_start3A_7 : memref<8x1024xf32, #tpu.memory_space<hbm>>) target(%arg7 : memref<8x1024xf32, #tpu.memory_space<vmem>>) target_semaphore(%arg16 : memref<!tpu.dma_semaphore, #tpu.memory_space<semaphore_mem>>)
    %add3A_8 = arith.constant 8 : i32
    %add3A_9 = arith.addi %mul3A_2, %add3A_8 : i32
    %dma_start3A_10 = arith.constant 0 : i32
    %dma_start3A_11 = tpu.memref_slice %arg2[%add3A_9, %dma_start3A_10] : memref<4096x1024xf32, #tpu.memory_space<hbm>> -> memref<8x1024xf32, #tpu.memory_space<hbm>>
    %dma_start3A_12 = arith.constant 0 : i32
    %dma_start3A_13 = tpu.memref_slice %arg2[%add3A_9, %dma_start3A_12] : memref<4096x1024xf32, #tpu.memory_space<hbm>> -> memref<8x1024xf32, #tpu.memory_space<hbm>>
    tpu.enqueue_dma source(%dma_start3A_13 : memref<8x1024xf32, #tpu.memory_space<hbm>>) target(%arg9 : memref<8x1024xf32, #tpu.memory_space<vmem>>) target_semaphore(%arg18 : memref<!tpu.dma_semaphore, #tpu.memory_space<semaphore_mem>>)
    %add3A_14 = arith.constant 16 : i32
    %add3A_15 = arith.addi %mul3A_2, %add3A_14 : i32
    %dma_start3A_16 = arith.constant 0 : i32
    %dma_start3A_17 = tpu.memref_slice %arg2[%add3A_15, %dma_start3A_16] : memref<4096x1024xf32, #tpu.memory_space<hbm>> -> memref<8x1024xf32, #tpu.memory_space<hbm>>
    %dma_start3A_18 = arith.constant 0 : i32
    %dma_start3A_19 = tpu.memref_slice %arg2[%add3A_15, %dma_start3A_18] : memref<4096x1024xf32, #tpu.memory_space<hbm>> -> memref<8x1024xf32, #tpu.memory_space<hbm>>
    tpu.enqueue_dma source(%dma_start3A_19 : memref<8x1024xf32, #tpu.memory_space<hbm>>) target(%arg11 : memref<8x1024xf32, #tpu.memory_space<vmem>>) target_semaphore(%arg20 : memref<!tpu.dma_semaphore, #tpu.memory_space<semaphore_mem>>)
    "tpu.region"() ({
      %run_scoped3A = tpu.sem_alloc : memref<!tpu.dma_semaphore, #tpu.memory_space<semaphore_mem>>
      %dma_start3A_44 = tpu.memref_slice %arg3[%mul3A_2] : memref<4096xi32, #tpu.memory_space<hbm>> -> memref<128xi32, #tpu.memory_space<hbm>>
      %dma_start3A_45 = tpu.memref_slice %arg3[%mul3A_2] : memref<4096xi32, #tpu.memory_space<hbm>> -> memref<128xi32, #tpu.memory_space<hbm>>
      tpu.enqueue_dma source(%dma_start3A_45 : memref<128xi32, #tpu.memory_space<hbm>>) target(%arg6 : memref<128xi32, #tpu.memory_space<vmem>>) target_semaphore(%run_scoped3A : memref<!tpu.dma_semaphore, #tpu.memory_space<semaphore_mem>>)
      %dma_wait3A = tpu.memref_slice %arg3[%mul3A_2] : memref<4096xi32, #tpu.memory_space<hbm>> -> memref<128xi32, #tpu.memory_space<hbm>>
      %dma_wait3A_46 = tpu.memref_slice %arg3[%mul3A_2] : memref<4096xi32, #tpu.memory_space<hbm>> -> memref<128xi32, #tpu.memory_space<hbm>>
      tpu.wait_dma2 semaphore(%run_scoped3A : memref<!tpu.dma_semaphore, #tpu.memory_space<semaphore_mem>>) src(%dma_wait3A_46 : memref<128xi32, #tpu.memory_space<hbm>>) dst(%arg6 : memref<128xi32, #tpu.memory_space<vmem>>)
      tpu.yield
    }) : () -> ()
    %dma_start3A_20 = arith.constant 0 : i32
    %dma_start3A_21 = tpu.memref_slice %arg6[%dma_start3A_20] : memref<128xi32, #tpu.memory_space<vmem>> -> memref<8xi32, #tpu.memory_space<vmem>>
    %dma_start3A_22 = arith.constant 0 : i32
    %dma_start3A_23 = arith.constant 0 : i32
    %dma_start3A_24 = tpu.memref_slice %arg4[%dma_start3A_22, %dma_start3A_23] : memref<10000x1024xf32, #tpu.memory_space<hbm>> -> memref<10000x1024xf32, #tpu.memory_space<hbm>>
    tpu.enqueue_indirect_dma source(%dma_start3A_24 : memref<10000x1024xf32, #tpu.memory_space<hbm>>) target(%arg8 : memref<8x1024xf32, #tpu.memory_space<vmem>>) offsets(%dma_start3A_21 : memref<8xi32, #tpu.memory_space<vmem>>) semaphore(%arg17 : memref<!tpu.dma_semaphore, #tpu.memory_space<semaphore_mem>>)
    %dma_start3A_25 = arith.constant 8 : i32
    %dma_start3A_26 = tpu.memref_slice %arg6[%dma_start3A_25] : memref<128xi32, #tpu.memory_space<vmem>> -> memref<8xi32, #tpu.memory_space<vmem>>
    %dma_start3A_27 = arith.constant 0 : i32
    %dma_start3A_28 = arith.constant 0 : i32
    %dma_start3A_29 = tpu.memref_slice %arg4[%dma_start3A_27, %dma_start3A_28] : memref<10000x1024xf32, #tpu.memory_space<hbm>> -> memref<10000x1024xf32, #tpu.memory_space<hbm>>
    tpu.enqueue_indirect_dma source(%dma_start3A_29 : memref<10000x1024xf32, #tpu.memory_space<hbm>>) target(%arg10 : memref<8x1024xf32, #tpu.memory_space<vmem>>) offsets(%dma_start3A_26 : memref<8xi32, #tpu.memory_space<vmem>>) semaphore(%arg19 : memref<!tpu.dma_semaphore, #tpu.memory_space<semaphore_mem>>)
    %dma_start3A_30 = arith.constant 16 : i32
    %dma_start3A_31 = tpu.memref_slice %arg6[%dma_start3A_30] : memref<128xi32, #tpu.memory_space<vmem>> -> memref<8xi32, #tpu.memory_space<vmem>>
    %dma_start3A_32 = arith.constant 0 : i32
    %dma_start3A_33 = arith.constant 0 : i32
    %dma_start3A_34 = tpu.memref_slice %arg4[%dma_start3A_32, %dma_start3A_33] : memref<10000x1024xf32, #tpu.memory_space<hbm>> -> memref<10000x1024xf32, #tpu.memory_space<hbm>>
    tpu.enqueue_indirect_dma source(%dma_start3A_34 : memref<10000x1024xf32, #tpu.memory_space<hbm>>) target(%arg12 : memref<8x1024xf32, #tpu.memory_space<vmem>>) offsets(%dma_start3A_31 : memref<8xi32, #tpu.memory_space<vmem>>) semaphore(%arg21 : memref<!tpu.dma_semaphore, #tpu.memory_space<semaphore_mem>>)
    %broadcast_in_dim3A = arith.constant 0.000000e+00 : f32
    %broadcast_in_dim3A_35 = vector.broadcast %broadcast_in_dim3A : f32 to vector<16xf32>
    %scan3A = arith.constant 0 : i32
    %scan3A_36 = arith.constant 4 : i32
    %scan3A_37 = arith.addi %scan3A, %scan3A_36 : i32
    %scan3A_38 = arith.constant 1 : i32
    %scan3A_39 = scf.for %scan3A_44 = %scan3A to %scan3A_37 step %scan3A_38 iter_args(%scan3A_45 = %broadcast_in_dim3A_35) -> (vector<16xf32>)  : i32 {
      %mul3A_46 = arith.constant 4 : i32
      %mul3A_47 = arith.muli %mul3A_46, %scan3A_44 : i32
      %dma_wait3A = arith.constant 0 : i32
      %dma_wait3A_48 = arith.constant 0 : i32
      %dma_wait3A_49 = tpu.memref_slice %arg2[%dma_wait3A, %dma_wait3A_48] : memref<4096x1024xf32, #tpu.memory_space<hbm>> -> memref<8x1024xf32, #tpu.memory_space<hbm>>
      %dma_wait3A_50 = arith.constant 0 : i32
      %dma_wait3A_51 = arith.constant 0 : i32
      %dma_wait3A_52 = tpu.memref_slice %arg2[%dma_wait3A_50, %dma_wait3A_51] : memref<4096x1024xf32, #tpu.memory_space<hbm>> -> memref<8x1024xf32, #tpu.memory_space<hbm>>
      tpu.wait_dma2 semaphore(%arg16 : memref<!tpu.dma_semaphore, #tpu.memory_space<semaphore_mem>>) src(%dma_wait3A_52 : memref<8x1024xf32, #tpu.memory_space<hbm>>) dst(%arg7 : memref<8x1024xf32, #tpu.memory_space<vmem>>)
      %dma_wait3A_53 = arith.constant 0 : i32
      %dma_wait3A_54 = arith.constant 0 : i32
      %dma_wait3A_55 = tpu.memref_slice %arg4[%dma_wait3A_53, %dma_wait3A_54] : memref<10000x1024xf32, #tpu.memory_space<hbm>> -> memref<8x1024xf32, #tpu.memory_space<hbm>>
      %dma_wait3A_56 = arith.constant 0 : i32
      %dma_wait3A_57 = arith.constant 0 : i32
      %dma_wait3A_58 = tpu.memref_slice %arg4[%dma_wait3A_56, %dma_wait3A_57] : memref<10000x1024xf32, #tpu.memory_space<hbm>> -> memref<8x1024xf32, #tpu.memory_space<hbm>>
      tpu.wait_dma2 semaphore(%arg17 : memref<!tpu.dma_semaphore, #tpu.memory_space<semaphore_mem>>) src(%dma_wait3A_58 : memref<8x1024xf32, #tpu.memory_space<hbm>>) dst(%arg8 : memref<8x1024xf32, #tpu.memory_space<vmem>>)
      %scan3A_59 = arith.constant 0 : i32
      %scan3A_60 = arith.constant 8 : i32
      %scan3A_61 = arith.addi %scan3A_59, %scan3A_60 : i32
      %scan3A_62 = arith.constant 1 : i32
      %scan3A_63 = scf.for %scan3A_152 = %scan3A_59 to %scan3A_61 step %scan3A_62 iter_args(%scan3A_153 = %scan3A_45) -> (vector<16xf32>)  : i32 {
        %scan3A_154 = arith.constant 0 : i32
        %scan3A_155 = arith.constant 8 : i32
        %scan3A_156 = arith.addi %scan3A_154, %scan3A_155 : i32
        %scan3A_157 = arith.constant 1 : i32
        %scan3A_158 = scf.for %scan3A_160 = %scan3A_154 to %scan3A_156 step %scan3A_157 iter_args(%scan3A_161 = %scan3A_153) -> (vector<16xf32>)  : i32 {
          %mul3A_162 = arith.constant 128 : i32
          %mul3A_163 = arith.muli %scan3A_160, %mul3A_162 : i32
          %add3A_164 = arith.constant 0 : i32
          %add3A_165 = arith.addi %mul3A_163, %add3A_164 : i32
          %get3A = arith.index_cast %scan3A_152 : i32 to index
          %get3A_166 = arith.index_cast %add3A_165 : i32 to index
          %get3A_167 = tpu.vector_load %arg7[%get3A, %get3A_166] {strides = array<i32>} : memref<8x1024xf32, #tpu.memory_space<vmem>>, vector<1x16xf32>,
          %get3A_168 = vector.shape_cast %get3A_167 : vector<1x16xf32> to vector<16xf32>
          %add3A_169 = arith.constant 0 : i32
          %add3A_170 = arith.addi %mul3A_163, %add3A_169 : i32
          %get3A_171 = arith.index_cast %scan3A_152 : i32 to index
          %get3A_172 = arith.index_cast %add3A_170 : i32 to index
          %get3A_173 = tpu.vector_load %arg8[%get3A_171, %get3A_172] {strides = array<i32>} : memref<8x1024xf32, #tpu.memory_space<vmem>>, vector<1x16xf32>,
          %get3A_174 = vector.shape_cast %get3A_173 : vector<1x16xf32> to vector<16xf32>
          %sub3A = arith.subf %get3A_168, %get3A_174 : vector<16xf32>
          %mul3A_175 = arith.mulf %sub3A, %sub3A : vector<16xf32>
          %add3A_176 = arith.constant 16 : i32
          %add3A_177 = arith.addi %mul3A_163, %add3A_176 : i32
          %get3A_178 = arith.index_cast %scan3A_152 : i32 to index
          %get3A_179 = arith.index_cast %add3A_177 : i32 to index
          %get3A_180 = tpu.vector_load %arg7[%get3A_178, %get3A_179] {strides = array<i32>} : memref<8x1024xf32, #tpu.memory_space<vmem>>, vector<1x16xf32>,
          %get3A_181 = vector.shape_cast %get3A_180 : vector<1x16xf32> to vector<16xf32>
          %add3A_182 = arith.constant 16 : i32
          %add3A_183 = arith.addi %mul3A_163, %add3A_182 : i32
          %get3A_184 = arith.index_cast %scan3A_152 : i32 to index
          %get3A_185 = arith.index_cast %add3A_183 : i32 to index
          %get3A_186 = tpu.vector_load %arg8[%get3A_184, %get3A_185] {strides = array<i32>} : memref<8x1024xf32, #tpu.memory_space<vmem>>, vector<1x16xf32>,
          %get3A_187 = vector.shape_cast %get3A_186 : vector<1x16xf32> to vector<16xf32>
          %sub3A_188 = arith.subf %get3A_181, %get3A_187 : vector<16xf32>
          %mul3A_189 = arith.mulf %sub3A_188, %sub3A_188 : vector<16xf32>
          %add3A_190 = arith.constant 32 : i32
          %add3A_191 = arith.addi %mul3A_163, %add3A_190 : i32
          %get3A_192 = arith.index_cast %scan3A_152 : i32 to index
          %get3A_193 = arith.index_cast %add3A_191 : i32 to index
          %get3A_194 = tpu.vector_load %arg7[%get3A_192, %get3A_193] {strides = array<i32>} : memref<8x1024xf32, #tpu.memory_space<vmem>>, vector<1x16xf32>,
          %get3A_195 = vector.shape_cast %get3A_194 : vector<1x16xf32> to vector<16xf32>
          %add3A_196 = arith.constant 32 : i32
          %add3A_197 = arith.addi %mul3A_163, %add3A_196 : i32
          %get3A_198 = arith.index_cast %scan3A_152 : i32 to index
          %get3A_199 = arith.index_cast %add3A_197 : i32 to index
          %get3A_200 = tpu.vector_load %arg8[%get3A_198, %get3A_199] {strides = array<i32>} : memref<8x1024xf32, #tpu.memory_space<vmem>>, vector<1x16xf32>,
          %get3A_201 = vector.shape_cast %get3A_200 : vector<1x16xf32> to vector<16xf32>
          %sub3A_202 = arith.subf %get3A_195, %get3A_201 : vector<16xf32>
          %mul3A_203 = arith.mulf %sub3A_202, %sub3A_202 : vector<16xf32>
          %add3A_204 = arith.addf %mul3A_175, %mul3A_203 : vector<16xf32>
          %add3A_205 = arith.constant 48 : i32
          %add3A_206 = arith.addi %mul3A_163, %add3A_205 : i32
          %get3A_207 = arith.index_cast %scan3A_152 : i32 to index
          %get3A_208 = arith.index_cast %add3A_206 : i32 to index
          %get3A_209 = tpu.vector_load %arg7[%get3A_207, %get3A_208] {strides = array<i32>} : memref<8x1024xf32, #tpu.memory_space<vmem>>, vector<1x16xf32>,
          %get3A_210 = vector.shape_cast %get3A_209 : vector<1x16xf32> to vector<16xf32>
          %add3A_211 = arith.constant 48 : i32
          %add3A_212 = arith.addi %mul3A_163, %add3A_211 : i32
          %get3A_213 = arith.index_cast %scan3A_152 : i32 to index
          %get3A_214 = arith.index_cast %add3A_212 : i32 to index
          %get3A_215 = tpu.vector_load %arg8[%get3A_213, %get3A_214] {strides = array<i32>} : memref<8x1024xf32, #tpu.memory_space<vmem>>, vector<1x16xf32>,
          %get3A_216 = vector.shape_cast %get3A_215 : vector<1x16xf32> to vector<16xf32>
          %sub3A_217 = arith.subf %get3A_210, %get3A_216 : vector<16xf32>
          %mul3A_218 = arith.mulf %sub3A_217, %sub3A_217 : vector<16xf32>
          %add3A_219 = arith.addf %mul3A_189, %mul3A_218 : vector<16xf32>
          %add3A_220 = arith.constant 64 : i32
          %add3A_221 = arith.addi %mul3A_163, %add3A_220 : i32
          %get3A_222 = arith.index_cast %scan3A_152 : i32 to index
          %get3A_223 = arith.index_cast %add3A_221 : i32 to index
          %get3A_224 = tpu.vector_load %arg7[%get3A_222, %get3A_223] {strides = array<i32>} : memref<8x1024xf32, #tpu.memory_space<vmem>>, vector<1x16xf32>,
          %get3A_225 = vector.shape_cast %get3A_224 : vector<1x16xf32> to vector<16xf32>
          %add3A_226 = arith.constant 64 : i32
          %add3A_227 = arith.addi %mul3A_163, %add3A_226 : i32
          %get3A_228 = arith.index_cast %scan3A_152 : i32 to index
          %get3A_229 = arith.index_cast %add3A_227 : i32 to index
          %get3A_230 = tpu.vector_load %arg8[%get3A_228, %get3A_229] {strides = array<i32>} : memref<8x1024xf32, #tpu.memory_space<vmem>>, vector<1x16xf32>,
          %get3A_231 = vector.shape_cast %get3A_230 : vector<1x16xf32> to vector<16xf32>
          %sub3A_232 = arith.subf %get3A_225, %get3A_231 : vector<16xf32>
          %mul3A_233 = arith.mulf %sub3A_232, %sub3A_232 : vector<16xf32>
          %add3A_234 = arith.addf %add3A_204, %mul3A_233 : vector<16xf32>
          %add3A_235 = arith.constant 80 : i32
          %add3A_236 = arith.addi %mul3A_163, %add3A_235 : i32
          %get3A_237 = arith.index_cast %scan3A_152 : i32 to index
          %get3A_238 = arith.index_cast %add3A_236 : i32 to index
          %get3A_239 = tpu.vector_load %arg7[%get3A_237, %get3A_238] {strides = array<i32>} : memref<8x1024xf32, #tpu.memory_space<vmem>>, vector<1x16xf32>,
          %get3A_240 = vector.shape_cast %get3A_239 : vector<1x16xf32> to vector<16xf32>
          %add3A_241 = arith.constant 80 : i32
          %add3A_242 = arith.addi %mul3A_163, %add3A_241 : i32
          %get3A_243 = arith.index_cast %scan3A_152 : i32 to index
          %get3A_244 = arith.index_cast %add3A_242 : i32 to index
          %get3A_245 = tpu.vector_load %arg8[%get3A_243, %get3A_244] {strides = array<i32>} : memref<8x1024xf32, #tpu.memory_space<vmem>>, vector<1x16xf32>,
          %get3A_246 = vector.shape_cast %get3A_245 : vector<1x16xf32> to vector<16xf32>
          %sub3A_247 = arith.subf %get3A_240, %get3A_246 : vector<16xf32>
          %mul3A_248 = arith.mulf %sub3A_247, %sub3A_247 : vector<16xf32>
          %add3A_249 = arith.addf %add3A_219, %mul3A_248 : vector<16xf32>
          %add3A_250 = arith.constant 96 : i32
          %add3A_251 = arith.addi %mul3A_163, %add3A_250 : i32
          %get3A_252 = arith.index_cast %scan3A_152 : i32 to index
          %get3A_253 = arith.index_cast %add3A_251 : i32 to index
          %get3A_254 = tpu.vector_load %arg7[%get3A_252, %get3A_253] {strides = array<i32>} : memref<8x1024xf32, #tpu.memory_space<vmem>>, vector<1x16xf32>,
          %get3A_255 = vector.shape_cast %get3A_254 : vector<1x16xf32> to vector<16xf32>
          %add3A_256 = arith.constant 96 : i32
          %add3A_257 = arith.addi %mul3A_163, %add3A_256 : i32
          %get3A_258 = arith.index_cast %scan3A_152 : i32 to index
          %get3A_259 = arith.index_cast %add3A_257 : i32 to index
          %get3A_260 = tpu.vector_load %arg8[%get3A_258, %get3A_259] {strides = array<i32>} : memref<8x1024xf32, #tpu.memory_space<vmem>>, vector<1x16xf32>,
          %get3A_261 = vector.shape_cast %get3A_260 : vector<1x16xf32> to vector<16xf32>
          %sub3A_262 = arith.subf %get3A_255, %get3A_261 : vector<16xf32>
          %mul3A_263 = arith.mulf %sub3A_262, %sub3A_262 : vector<16xf32>
          %add3A_264 = arith.addf %add3A_234, %mul3A_263 : vector<16xf32>
          %add3A_265 = arith.constant 112 : i32
          %add3A_266 = arith.addi %mul3A_163, %add3A_265 : i32
          %get3A_267 = arith.index_cast %scan3A_152 : i32 to index
          %get3A_268 = arith.index_cast %add3A_266 : i32 to index
          %get3A_269 = tpu.vector_load %arg7[%get3A_267, %get3A_268] {strides = array<i32>} : memref<8x1024xf32, #tpu.memory_space<vmem>>, vector<1x16xf32>,
          %get3A_270 = vector.shape_cast %get3A_269 : vector<1x16xf32> to vector<16xf32>
          %add3A_271 = arith.constant 112 : i32
          %add3A_272 = arith.addi %mul3A_163, %add3A_271 : i32
          %get3A_273 = arith.index_cast %scan3A_152 : i32 to index
          %get3A_274 = arith.index_cast %add3A_272 : i32 to index
          %get3A_275 = tpu.vector_load %arg8[%get3A_273, %get3A_274] {strides = array<i32>} : memref<8x1024xf32, #tpu.memory_space<vmem>>, vector<1x16xf32>,
          %get3A_276 = vector.shape_cast %get3A_275 : vector<1x16xf32> to vector<16xf32>
          %sub3A_277 = arith.subf %get3A_270, %get3A_276 : vector<16xf32>
          %mul3A_278 = arith.mulf %sub3A_277, %sub3A_277 : vector<16xf32>
          %add3A_279 = arith.addf %add3A_249, %mul3A_278 : vector<16xf32>
          %add3A_280 = arith.addf %add3A_264, %add3A_279 : vector<16xf32>
          %add3A_281 = arith.addf %scan3A_161, %add3A_280 : vector<16xf32>
          scf.yield %add3A_281 : vector<16xf32>
        }
        %scan3A_159 = arith.constant 8 : i32
        scf.yield %scan3A_158 : vector<16xf32>
      }
      %scan3A_64 = arith.constant 8 : i32
      %add3A_65 = arith.constant 0 : i32
      %add3A_66 = arith.addi %mul3A_47, %add3A_65 : i32
      %add3A_67 = arith.constant 3 : i32
      %add3A_68 = arith.addi %add3A_66, %add3A_67 : i32
      %lt3A = arith.constant 16 : i32
      %lt3A_69 = arith.cmpi slt, %add3A_68, %lt3A : i32
      %convert_element_type3A = arith.extui %lt3A_69 : i1 to i32
      %cond3A = arith.constant 0 : i32
      %cond3A_70 = arith.cmpi ne, %convert_element_type3A, %cond3A : i32
      scf.if %cond3A_70 {
        %mul3A_152 = arith.constant 8 : i32
        %mul3A_153 = arith.muli %add3A_68, %mul3A_152 : i32
        %add3A_154 = arith.addi %mul3A_2, %mul3A_153 : i32
        %dma_start3A_155 = arith.constant 0 : i32
        %dma_start3A_156 = tpu.memref_slice %arg2[%add3A_154, %dma_start3A_155] : memref<4096x1024xf32, #tpu.memory_space<hbm>> -> memref<8x1024xf32, #tpu.memory_space<hbm>>
        %dma_start3A_157 = arith.constant 0 : i32
        %dma_start3A_158 = tpu.memref_slice %arg2[%add3A_154, %dma_start3A_157] : memref<4096x1024xf32, #tpu.memory_space<hbm>> -> memref<8x1024xf32, #tpu.memory_space<hbm>>
        tpu.enqueue_dma source(%dma_start3A_158 : memref<8x1024xf32, #tpu.memory_space<hbm>>) target(%arg13 : memref<8x1024xf32, #tpu.memory_space<vmem>>) target_semaphore(%arg22 : memref<!tpu.dma_semaphore, #tpu.memory_space<semaphore_mem>>)
        %mul3A_159 = arith.constant 8 : i32
        %mul3A_160 = arith.muli %add3A_68, %mul3A_159 : i32
        %dma_start3A_161 = tpu.memref_slice %arg6[%mul3A_160] : memref<128xi32, #tpu.memory_space<vmem>> -> memref<8xi32, #tpu.memory_space<vmem>>
        %dma_start3A_162 = arith.constant 0 : i32
        %dma_start3A_163 = arith.constant 0 : i32
        %dma_start3A_164 = tpu.memref_slice %arg4[%dma_start3A_162, %dma_start3A_163] : memref<10000x1024xf32, #tpu.memory_space<hbm>> -> memref<10000x1024xf32, #tpu.memory_space<hbm>>
        tpu.enqueue_indirect_dma source(%dma_start3A_164 : memref<10000x1024xf32, #tpu.memory_space<hbm>>) target(%arg14 : memref<8x1024xf32, #tpu.memory_space<vmem>>) offsets(%dma_start3A_161 : memref<8xi32, #tpu.memory_space<vmem>>) semaphore(%arg23 : memref<!tpu.dma_semaphore, #tpu.memory_space<semaphore_mem>>)
      } else {
      }
      %dma_wait3A_71 = arith.constant 0 : i32
      %dma_wait3A_72 = arith.constant 0 : i32
      %dma_wait3A_73 = tpu.memref_slice %arg2[%dma_wait3A_71, %dma_wait3A_72] : memref<4096x1024xf32, #tpu.memory_space<hbm>> -> memref<8x1024xf32, #tpu.memory_space<hbm>>
      %dma_wait3A_74 = arith.constant 0 : i32
      %dma_wait3A_75 = arith.constant 0 : i32
      %dma_wait3A_76 = tpu.memref_slice %arg2[%dma_wait3A_74, %dma_wait3A_75] : memref<4096x1024xf32, #tpu.memory_space<hbm>> -> memref<8x1024xf32, #tpu.memory_space<hbm>>
      tpu.wait_dma2 semaphore(%arg18 : memref<!tpu.dma_semaphore, #tpu.memory_space<semaphore_mem>>) src(%dma_wait3A_76 : memref<8x1024xf32, #tpu.memory_space<hbm>>) dst(%arg9 : memref<8x1024xf32, #tpu.memory_space<vmem>>)
      %dma_wait3A_77 = arith.constant 0 : i32
      %dma_wait3A_78 = arith.constant 0 : i32
      %dma_wait3A_79 = tpu.memref_slice %arg4[%dma_wait3A_77, %dma_wait3A_78] : memref<10000x1024xf32, #tpu.memory_space<hbm>> -> memref<8x1024xf32, #tpu.memory_space<hbm>>
      %dma_wait3A_80 = arith.constant 0 : i32
      %dma_wait3A_81 = arith.constant 0 : i32
      %dma_wait3A_82 = tpu.memref_slice %arg4[%dma_wait3A_80, %dma_wait3A_81] : memref<10000x1024xf32, #tpu.memory_space<hbm>> -> memref<8x1024xf32, #tpu.memory_space<hbm>>
      tpu.wait_dma2 semaphore(%arg19 : memref<!tpu.dma_semaphore, #tpu.memory_space<semaphore_mem>>) src(%dma_wait3A_82 : memref<8x1024xf32, #tpu.memory_space<hbm>>) dst(%arg10 : memref<8x1024xf32, #tpu.memory_space<vmem>>)
      %scan3A_83 = arith.constant 0 : i32
      %scan3A_84 = arith.constant 8 : i32
      %scan3A_85 = arith.addi %scan3A_83, %scan3A_84 : i32
      %scan3A_86 = arith.constant 1 : i32
      %scan3A_87 = scf.for %scan3A_152 = %scan3A_83 to %scan3A_85 step %scan3A_86 iter_args(%scan3A_153 = %scan3A_63) -> (vector<16xf32>)  : i32 {
        %scan3A_154 = arith.constant 0 : i32
        %scan3A_155 = arith.constant 8 : i32
        %scan3A_156 = arith.addi %scan3A_154, %scan3A_155 : i32
        %scan3A_157 = arith.constant 1 : i32
        %scan3A_158 = scf.for %scan3A_160 = %scan3A_154 to %scan3A_156 step %scan3A_157 iter_args(%scan3A_161 = %scan3A_153) -> (vector<16xf32>)  : i32 {
          %mul3A_162 = arith.constant 128 : i32
          %mul3A_163 = arith.muli %scan3A_160, %mul3A_162 : i32
          %add3A_164 = arith.constant 0 : i32
          %add3A_165 = arith.addi %mul3A_163, %add3A_164 : i32
          %get3A = arith.index_cast %scan3A_152 : i32 to index
          %get3A_166 = arith.index_cast %add3A_165 : i32 to index
          %get3A_167 = tpu.vector_load %arg9[%get3A, %get3A_166] {strides = array<i32>} : memref<8x1024xf32, #tpu.memory_space<vmem>>, vector<1x16xf32>,
          %get3A_168 = vector.shape_cast %get3A_167 : vector<1x16xf32> to vector<16xf32>
          %add3A_169 = arith.constant 0 : i32
          %add3A_170 = arith.addi %mul3A_163, %add3A_169 : i32
          %get3A_171 = arith.index_cast %scan3A_152 : i32 to index
          %get3A_172 = arith.index_cast %add3A_170 : i32 to index
          %get3A_173 = tpu.vector_load %arg10[%get3A_171, %get3A_172] {strides = array<i32>} : memref<8x1024xf32, #tpu.memory_space<vmem>>, vector<1x16xf32>,
          %get3A_174 = vector.shape_cast %get3A_173 : vector<1x16xf32> to vector<16xf32>
          %sub3A = arith.subf %get3A_168, %get3A_174 : vector<16xf32>
          %mul3A_175 = arith.mulf %sub3A, %sub3A : vector<16xf32>
          %add3A_176 = arith.constant 16 : i32
          %add3A_177 = arith.addi %mul3A_163, %add3A_176 : i32
          %get3A_178 = arith.index_cast %scan3A_152 : i32 to index
          %get3A_179 = arith.index_cast %add3A_177 : i32 to index
          %get3A_180 = tpu.vector_load %arg9[%get3A_178, %get3A_179] {strides = array<i32>} : memref<8x1024xf32, #tpu.memory_space<vmem>>, vector<1x16xf32>,
          %get3A_181 = vector.shape_cast %get3A_180 : vector<1x16xf32> to vector<16xf32>
          %add3A_182 = arith.constant 16 : i32
          %add3A_183 = arith.addi %mul3A_163, %add3A_182 : i32
          %get3A_184 = arith.index_cast %scan3A_152 : i32 to index
          %get3A_185 = arith.index_cast %add3A_183 : i32 to index
          %get3A_186 = tpu.vector_load %arg10[%get3A_184, %get3A_185] {strides = array<i32>} : memref<8x1024xf32, #tpu.memory_space<vmem>>, vector<1x16xf32>,
          %get3A_187 = vector.shape_cast %get3A_186 : vector<1x16xf32> to vector<16xf32>
          %sub3A_188 = arith.subf %get3A_181, %get3A_187 : vector<16xf32>
          %mul3A_189 = arith.mulf %sub3A_188, %sub3A_188 : vector<16xf32>
          %add3A_190 = arith.constant 32 : i32
          %add3A_191 = arith.addi %mul3A_163, %add3A_190 : i32
          %get3A_192 = arith.index_cast %scan3A_152 : i32 to index
          %get3A_193 = arith.index_cast %add3A_191 : i32 to index
          %get3A_194 = tpu.vector_load %arg9[%get3A_192, %get3A_193] {strides = array<i32>} : memref<8x1024xf32, #tpu.memory_space<vmem>>, vector<1x16xf32>,
          %get3A_195 = vector.shape_cast %get3A_194 : vector<1x16xf32> to vector<16xf32>
          %add3A_196 = arith.constant 32 : i32
          %add3A_197 = arith.addi %mul3A_163, %add3A_196 : i32
          %get3A_198 = arith.index_cast %scan3A_152 : i32 to index
          %get3A_199 = arith.index_cast %add3A_197 : i32 to index
          %get3A_200 = tpu.vector_load %arg10[%get3A_198, %get3A_199] {strides = array<i32>} : memref<8x1024xf32, #tpu.memory_space<vmem>>, vector<1x16xf32>,
          %get3A_201 = vector.shape_cast %get3A_200 : vector<1x16xf32> to vector<16xf32>
          %sub3A_202 = arith.subf %get3A_195, %get3A_201 : vector<16xf32>
          %mul3A_203 = arith.mulf %sub3A_202, %sub3A_202 : vector<16xf32>
          %add3A_204 = arith.addf %mul3A_175, %mul3A_203 : vector<16xf32>
          %add3A_205 = arith.constant 48 : i32
          %add3A_206 = arith.addi %mul3A_163, %add3A_205 : i32
          %get3A_207 = arith.index_cast %scan3A_152 : i32 to index
          %get3A_208 = arith.index_cast %add3A_206 : i32 to index
          %get3A_209 = tpu.vector_load %arg9[%get3A_207, %get3A_208] {strides = array<i32>} : memref<8x1024xf32, #tpu.memory_space<vmem>>, vector<1x16xf32>,
          %get3A_210 = vector.shape_cast %get3A_209 : vector<1x16xf32> to vector<16xf32>
          %add3A_211 = arith.constant 48 : i32
          %add3A_212 = arith.addi %mul3A_163, %add3A_211 : i32
          %get3A_213 = arith.index_cast %scan3A_152 : i32 to index
          %get3A_214 = arith.index_cast %add3A_212 : i32 to index
          %get3A_215 = tpu.vector_load %arg10[%get3A_213, %get3A_214] {strides = array<i32>} : memref<8x1024xf32, #tpu.memory_space<vmem>>, vector<1x16xf32>,
          %get3A_216 = vector.shape_cast %get3A_215 : vector<1x16xf32> to vector<16xf32>
          %sub3A_217 = arith.subf %get3A_210, %get3A_216 : vector<16xf32>
          %mul3A_218 = arith.mulf %sub3A_217, %sub3A_217 : vector<16xf32>
          %add3A_219 = arith.addf %mul3A_189, %mul3A_218 : vector<16xf32>
          %add3A_220 = arith.constant 64 : i32
          %add3A_221 = arith.addi %mul3A_163, %add3A_220 : i32
          %get3A_222 = arith.index_cast %scan3A_152 : i32 to index
          %get3A_223 = arith.index_cast %add3A_221 : i32 to index
          %get3A_224 = tpu.vector_load %arg9[%get3A_222, %get3A_223] {strides = array<i32>} : memref<8x1024xf32, #tpu.memory_space<vmem>>, vector<1x16xf32>,
          %get3A_225 = vector.shape_cast %get3A_224 : vector<1x16xf32> to vector<16xf32>
          %add3A_226 = arith.constant 64 : i32
          %add3A_227 = arith.addi %mul3A_163, %add3A_226 : i32
          %get3A_228 = arith.index_cast %scan3A_152 : i32 to index
          %get3A_229 = arith.index_cast %add3A_227 : i32 to index
          %get3A_230 = tpu.vector_load %arg10[%get3A_228, %get3A_229] {strides = array<i32>} : memref<8x1024xf32, #tpu.memory_space<vmem>>, vector<1x16xf32>,
          %get3A_231 = vector.shape_cast %get3A_230 : vector<1x16xf32> to vector<16xf32>
          %sub3A_232 = arith.subf %get3A_225, %get3A_231 : vector<16xf32>
          %mul3A_233 = arith.mulf %sub3A_232, %sub3A_232 : vector<16xf32>
          %add3A_234 = arith.addf %add3A_204, %mul3A_233 : vector<16xf32>
          %add3A_235 = arith.constant 80 : i32
          %add3A_236 = arith.addi %mul3A_163, %add3A_235 : i32
          %get3A_237 = arith.index_cast %scan3A_152 : i32 to index
          %get3A_238 = arith.index_cast %add3A_236 : i32 to index
          %get3A_239 = tpu.vector_load %arg9[%get3A_237, %get3A_238] {strides = array<i32>} : memref<8x1024xf32, #tpu.memory_space<vmem>>, vector<1x16xf32>,
          %get3A_240 = vector.shape_cast %get3A_239 : vector<1x16xf32> to vector<16xf32>
          %add3A_241 = arith.constant 80 : i32
          %add3A_242 = arith.addi %mul3A_163, %add3A_241 : i32
          %get3A_243 = arith.index_cast %scan3A_152 : i32 to index
          %get3A_244 = arith.index_cast %add3A_242 : i32 to index
          %get3A_245 = tpu.vector_load %arg10[%get3A_243, %get3A_244] {strides = array<i32>} : memref<8x1024xf32, #tpu.memory_space<vmem>>, vector<1x16xf32>,
          %get3A_246 = vector.shape_cast %get3A_245 : vector<1x16xf32> to vector<16xf32>
          %sub3A_247 = arith.subf %get3A_240, %get3A_246 : vector<16xf32>
          %mul3A_248 = arith.mulf %sub3A_247, %sub3A_247 : vector<16xf32>
          %add3A_249 = arith.addf %add3A_219, %mul3A_248 : vector<16xf32>
          %add3A_250 = arith.constant 96 : i32
          %add3A_251 = arith.addi %mul3A_163, %add3A_250 : i32
          %get3A_252 = arith.index_cast %scan3A_152 : i32 to index
          %get3A_253 = arith.index_cast %add3A_251 : i32 to index
          %get3A_254 = tpu.vector_load %arg9[%get3A_252, %get3A_253] {strides = array<i32>} : memref<8x1024xf32, #tpu.memory_space<vmem>>, vector<1x16xf32>,
          %get3A_255 = vector.shape_cast %get3A_254 : vector<1x16xf32> to vector<16xf32>
          %add3A_256 = arith.constant 96 : i32
          %add3A_257 = arith.addi %mul3A_163, %add3A_256 : i32
          %get3A_258 = arith.index_cast %scan3A_152 : i32 to index
          %get3A_259 = arith.index_cast %add3A_257 : i32 to index
          %get3A_260 = tpu.vector_load %arg10[%get3A_258, %get3A_259] {strides = array<i32>} : memref<8x1024xf32, #tpu.memory_space<vmem>>, vector<1x16xf32>,
          %get3A_261 = vector.shape_cast %get3A_260 : vector<1x16xf32> to vector<16xf32>
          %sub3A_262 = arith.subf %get3A_255, %get3A_261 : vector<16xf32>
          %mul3A_263 = arith.mulf %sub3A_262, %sub3A_262 : vector<16xf32>
          %add3A_264 = arith.addf %add3A_234, %mul3A_263 : vector<16xf32>
          %add3A_265 = arith.constant 112 : i32
          %add3A_266 = arith.addi %mul3A_163, %add3A_265 : i32
          %get3A_267 = arith.index_cast %scan3A_152 : i32 to index
          %get3A_268 = arith.index_cast %add3A_266 : i32 to index
          %get3A_269 = tpu.vector_load %arg9[%get3A_267, %get3A_268] {strides = array<i32>} : memref<8x1024xf32, #tpu.memory_space<vmem>>, vector<1x16xf32>,
          %get3A_270 = vector.shape_cast %get3A_269 : vector<1x16xf32> to vector<16xf32>
          %add3A_271 = arith.constant 112 : i32
          %add3A_272 = arith.addi %mul3A_163, %add3A_271 : i32
          %get3A_273 = arith.index_cast %scan3A_152 : i32 to index
          %get3A_274 = arith.index_cast %add3A_272 : i32 to index
          %get3A_275 = tpu.vector_load %arg10[%get3A_273, %get3A_274] {strides = array<i32>} : memref<8x1024xf32, #tpu.memory_space<vmem>>, vector<1x16xf32>,
          %get3A_276 = vector.shape_cast %get3A_275 : vector<1x16xf32> to vector<16xf32>
          %sub3A_277 = arith.subf %get3A_270, %get3A_276 : vector<16xf32>
          %mul3A_278 = arith.mulf %sub3A_277, %sub3A_277 : vector<16xf32>
          %add3A_279 = arith.addf %add3A_249, %mul3A_278 : vector<16xf32>
          %add3A_280 = arith.addf %add3A_264, %add3A_279 : vector<16xf32>
          %add3A_281 = arith.addf %scan3A_161, %add3A_280 : vector<16xf32>
          scf.yield %add3A_281 : vector<16xf32>
        }
        %scan3A_159 = arith.constant 8 : i32
        scf.yield %scan3A_158 : vector<16xf32>
      }
      %scan3A_88 = arith.constant 8 : i32
      %add3A_89 = arith.constant 1 : i32
      %add3A_90 = arith.addi %mul3A_47, %add3A_89 : i32
      %add3A_91 = arith.constant 3 : i32
      %add3A_92 = arith.addi %add3A_90, %add3A_91 : i32
      %lt3A_93 = arith.constant 16 : i32
      %lt3A_94 = arith.cmpi slt, %add3A_92, %lt3A_93 : i32
      %convert_element_type3A_95 = arith.extui %lt3A_94 : i1 to i32
      %cond3A_96 = arith.constant 0 : i32
      %cond3A_97 = arith.cmpi ne, %convert_element_type3A_95, %cond3A_96 : i32
      scf.if %cond3A_97 {
        %mul3A_152 = arith.constant 8 : i32
        %mul3A_153 = arith.muli %add3A_92, %mul3A_152 : i32
        %add3A_154 = arith.addi %mul3A_2, %mul3A_153 : i32
        %dma_start3A_155 = arith.constant 0 : i32
        %dma_start3A_156 = tpu.memref_slice %arg2[%add3A_154, %dma_start3A_155] : memref<4096x1024xf32, #tpu.memory_space<hbm>> -> memref<8x1024xf32, #tpu.memory_space<hbm>>
        %dma_start3A_157 = arith.constant 0 : i32
        %dma_start3A_158 = tpu.memref_slice %arg2[%add3A_154, %dma_start3A_157] : memref<4096x1024xf32, #tpu.memory_space<hbm>> -> memref<8x1024xf32, #tpu.memory_space<hbm>>
        tpu.enqueue_dma source(%dma_start3A_158 : memref<8x1024xf32, #tpu.memory_space<hbm>>) target(%arg7 : memref<8x1024xf32, #tpu.memory_space<vmem>>) target_semaphore(%arg16 : memref<!tpu.dma_semaphore, #tpu.memory_space<semaphore_mem>>)
        %mul3A_159 = arith.constant 8 : i32
        %mul3A_160 = arith.muli %add3A_92, %mul3A_159 : i32
        %dma_start3A_161 = tpu.memref_slice %arg6[%mul3A_160] : memref<128xi32, #tpu.memory_space<vmem>> -> memref<8xi32, #tpu.memory_space<vmem>>
        %dma_start3A_162 = arith.constant 0 : i32
        %dma_start3A_163 = arith.constant 0 : i32
        %dma_start3A_164 = tpu.memref_slice %arg4[%dma_start3A_162, %dma_start3A_163] : memref<10000x1024xf32, #tpu.memory_space<hbm>> -> memref<10000x1024xf32, #tpu.memory_space<hbm>>
        tpu.enqueue_indirect_dma source(%dma_start3A_164 : memref<10000x1024xf32, #tpu.memory_space<hbm>>) target(%arg8 : memref<8x1024xf32, #tpu.memory_space<vmem>>) offsets(%dma_start3A_161 : memref<8xi32, #tpu.memory_space<vmem>>) semaphore(%arg17 : memref<!tpu.dma_semaphore, #tpu.memory_space<semaphore_mem>>)
      } else {
      }
      %dma_wait3A_98 = arith.constant 0 : i32
      %dma_wait3A_99 = arith.constant 0 : i32
      %dma_wait3A_100 = tpu.memref_slice %arg2[%dma_wait3A_98, %dma_wait3A_99] : memref<4096x1024xf32, #tpu.memory_space<hbm>> -> memref<8x1024xf32, #tpu.memory_space<hbm>>
      %dma_wait3A_101 = arith.constant 0 : i32
      %dma_wait3A_102 = arith.constant 0 : i32
      %dma_wait3A_103 = tpu.memref_slice %arg2[%dma_wait3A_101, %dma_wait3A_102] : memref<4096x1024xf32, #tpu.memory_space<hbm>> -> memref<8x1024xf32, #tpu.memory_space<hbm>>
      tpu.wait_dma2 semaphore(%arg20 : memref<!tpu.dma_semaphore, #tpu.memory_space<semaphore_mem>>) src(%dma_wait3A_103 : memref<8x1024xf32, #tpu.memory_space<hbm>>) dst(%arg11 : memref<8x1024xf32, #tpu.memory_space<vmem>>)
      %dma_wait3A_104 = arith.constant 0 : i32
      %dma_wait3A_105 = arith.constant 0 : i32
      %dma_wait3A_106 = tpu.memref_slice %arg4[%dma_wait3A_104, %dma_wait3A_105] : memref<10000x1024xf32, #tpu.memory_space<hbm>> -> memref<8x1024xf32, #tpu.memory_space<hbm>>
      %dma_wait3A_107 = arith.constant 0 : i32
      %dma_wait3A_108 = arith.constant 0 : i32
      %dma_wait3A_109 = tpu.memref_slice %arg4[%dma_wait3A_107, %dma_wait3A_108] : memref<10000x1024xf32, #tpu.memory_space<hbm>> -> memref<8x1024xf32, #tpu.memory_space<hbm>>
      tpu.wait_dma2 semaphore(%arg21 : memref<!tpu.dma_semaphore, #tpu.memory_space<semaphore_mem>>) src(%dma_wait3A_109 : memref<8x1024xf32, #tpu.memory_space<hbm>>) dst(%arg12 : memref<8x1024xf32, #tpu.memory_space<vmem>>)
      %scan3A_110 = arith.constant 0 : i32
      %scan3A_111 = arith.constant 8 : i32
      %scan3A_112 = arith.addi %scan3A_110, %scan3A_111 : i32
      %scan3A_113 = arith.constant 1 : i32
      %scan3A_114 = scf.for %scan3A_152 = %scan3A_110 to %scan3A_112 step %scan3A_113 iter_args(%scan3A_153 = %scan3A_87) -> (vector<16xf32>)  : i32 {
        %scan3A_154 = arith.constant 0 : i32
        %scan3A_155 = arith.constant 8 : i32
        %scan3A_156 = arith.addi %scan3A_154, %scan3A_155 : i32
        %scan3A_157 = arith.constant 1 : i32
        %scan3A_158 = scf.for %scan3A_160 = %scan3A_154 to %scan3A_156 step %scan3A_157 iter_args(%scan3A_161 = %scan3A_153) -> (vector<16xf32>)  : i32 {
          %mul3A_162 = arith.constant 128 : i32
          %mul3A_163 = arith.muli %scan3A_160, %mul3A_162 : i32
          %add3A_164 = arith.constant 0 : i32
          %add3A_165 = arith.addi %mul3A_163, %add3A_164 : i32
          %get3A = arith.index_cast %scan3A_152 : i32 to index
          %get3A_166 = arith.index_cast %add3A_165 : i32 to index
          %get3A_167 = tpu.vector_load %arg11[%get3A, %get3A_166] {strides = array<i32>} : memref<8x1024xf32, #tpu.memory_space<vmem>>, vector<1x16xf32>,
          %get3A_168 = vector.shape_cast %get3A_167 : vector<1x16xf32> to vector<16xf32>
          %add3A_169 = arith.constant 0 : i32
          %add3A_170 = arith.addi %mul3A_163, %add3A_169 : i32
          %get3A_171 = arith.index_cast %scan3A_152 : i32 to index
          %get3A_172 = arith.index_cast %add3A_170 : i32 to index
          %get3A_173 = tpu.vector_load %arg12[%get3A_171, %get3A_172] {strides = array<i32>} : memref<8x1024xf32, #tpu.memory_space<vmem>>, vector<1x16xf32>,
          %get3A_174 = vector.shape_cast %get3A_173 : vector<1x16xf32> to vector<16xf32>
          %sub3A = arith.subf %get3A_168, %get3A_174 : vector<16xf32>
          %mul3A_175 = arith.mulf %sub3A, %sub3A : vector<16xf32>
          %add3A_176 = arith.constant 16 : i32
          %add3A_177 = arith.addi %mul3A_163, %add3A_176 : i32
          %get3A_178 = arith.index_cast %scan3A_152 : i32 to index
          %get3A_179 = arith.index_cast %add3A_177 : i32 to index
          %get3A_180 = tpu.vector_load %arg11[%get3A_178, %get3A_179] {strides = array<i32>} : memref<8x1024xf32, #tpu.memory_space<vmem>>, vector<1x16xf32>,
          %get3A_181 = vector.shape_cast %get3A_180 : vector<1x16xf32> to vector<16xf32>
          %add3A_182 = arith.constant 16 : i32
          %add3A_183 = arith.addi %mul3A_163, %add3A_182 : i32
          %get3A_184 = arith.index_cast %scan3A_152 : i32 to index
          %get3A_185 = arith.index_cast %add3A_183 : i32 to index
          %get3A_186 = tpu.vector_load %arg12[%get3A_184, %get3A_185] {strides = array<i32>} : memref<8x1024xf32, #tpu.memory_space<vmem>>, vector<1x16xf32>,
          %get3A_187 = vector.shape_cast %get3A_186 : vector<1x16xf32> to vector<16xf32>
          %sub3A_188 = arith.subf %get3A_181, %get3A_187 : vector<16xf32>
          %mul3A_189 = arith.mulf %sub3A_188, %sub3A_188 : vector<16xf32>
          %add3A_190 = arith.constant 32 : i32
          %add3A_191 = arith.addi %mul3A_163, %add3A_190 : i32
          %get3A_192 = arith.index_cast %scan3A_152 : i32 to index
          %get3A_193 = arith.index_cast %add3A_191 : i32 to index
          %get3A_194 = tpu.vector_load %arg11[%get3A_192, %get3A_193] {strides = array<i32>} : memref<8x1024xf32, #tpu.memory_space<vmem>>, vector<1x16xf32>,
          %get3A_195 = vector.shape_cast %get3A_194 : vector<1x16xf32> to vector<16xf32>
          %add3A_196 = arith.constant 32 : i32
          %add3A_197 = arith.addi %mul3A_163, %add3A_196 : i32
          %get3A_198 = arith.index_cast %scan3A_152 : i32 to index
          %get3A_199 = arith.index_cast %add3A_197 : i32 to index
          %get3A_200 = tpu.vector_load %arg12[%get3A_198, %get3A_199] {strides = array<i32>} : memref<8x1024xf32, #tpu.memory_space<vmem>>, vector<1x16xf32>,
          %get3A_201 = vector.shape_cast %get3A_200 : vector<1x16xf32> to vector<16xf32>
          %sub3A_202 = arith.subf %get3A_195, %get3A_201 : vector<16xf32>
          %mul3A_203 = arith.mulf %sub3A_202, %sub3A_202 : vector<16xf32>
          %add3A_204 = arith.addf %mul3A_175, %mul3A_203 : vector<16xf32>
          %add3A_205 = arith.constant 48 : i32
          %add3A_206 = arith.addi %mul3A_163, %add3A_205 : i32
          %get3A_207 = arith.index_cast %scan3A_152 : i32 to index
          %get3A_208 = arith.index_cast %add3A_206 : i32 to index
          %get3A_209 = tpu.vector_load %arg11[%get3A_207, %get3A_208] {strides = array<i32>} : memref<8x1024xf32, #tpu.memory_space<vmem>>, vector<1x16xf32>,
          %get3A_210 = vector.shape_cast %get3A_209 : vector<1x16xf32> to vector<16xf32>
          %add3A_211 = arith.constant 48 : i32
          %add3A_212 = arith.addi %mul3A_163, %add3A_211 : i32
          %get3A_213 = arith.index_cast %scan3A_152 : i32 to index
          %get3A_214 = arith.index_cast %add3A_212 : i32 to index
          %get3A_215 = tpu.vector_load %arg12[%get3A_213, %get3A_214] {strides = array<i32>} : memref<8x1024xf32, #tpu.memory_space<vmem>>, vector<1x16xf32>,
          %get3A_216 = vector.shape_cast %get3A_215 : vector<1x16xf32> to vector<16xf32>
          %sub3A_217 = arith.subf %get3A_210, %get3A_216 : vector<16xf32>
          %mul3A_218 = arith.mulf %sub3A_217, %sub3A_217 : vector<16xf32>
          %add3A_219 = arith.addf %mul3A_189, %mul3A_218 : vector<16xf32>
          %add3A_220 = arith.constant 64 : i32
          %add3A_221 = arith.addi %mul3A_163, %add3A_220 : i32
          %get3A_222 = arith.index_cast %scan3A_152 : i32 to index
          %get3A_223 = arith.index_cast %add3A_221 : i32 to index
          %get3A_224 = tpu.vector_load %arg11[%get3A_222, %get3A_223] {strides = array<i32>} : memref<8x1024xf32, #tpu.memory_space<vmem>>, vector<1x16xf32>,
          %get3A_225 = vector.shape_cast %get3A_224 : vector<1x16xf32> to vector<16xf32>
          %add3A_226 = arith.constant 64 : i32
          %add3A_227 = arith.addi %mul3A_163, %add3A_226 : i32
          %get3A_228 = arith.index_cast %scan3A_152 : i32 to index
          %get3A_229 = arith.index_cast %add3A_227 : i32 to index
          %get3A_230 = tpu.vector_load %arg12[%get3A_228, %get3A_229] {strides = array<i32>} : memref<8x1024xf32, #tpu.memory_space<vmem>>, vector<1x16xf32>,
          %get3A_231 = vector.shape_cast %get3A_230 : vector<1x16xf32> to vector<16xf32>
          %sub3A_232 = arith.subf %get3A_225, %get3A_231 : vector<16xf32>
          %mul3A_233 = arith.mulf %sub3A_232, %sub3A_232 : vector<16xf32>
          %add3A_234 = arith.addf %add3A_204, %mul3A_233 : vector<16xf32>
          %add3A_235 = arith.constant 80 : i32
          %add3A_236 = arith.addi %mul3A_163, %add3A_235 : i32
          %get3A_237 = arith.index_cast %scan3A_152 : i32 to index
          %get3A_238 = arith.index_cast %add3A_236 : i32 to index
          %get3A_239 = tpu.vector_load %arg11[%get3A_237, %get3A_238] {strides = array<i32>} : memref<8x1024xf32, #tpu.memory_space<vmem>>, vector<1x16xf32>,
          %get3A_240 = vector.shape_cast %get3A_239 : vector<1x16xf32> to vector<16xf32>
          %add3A_241 = arith.constant 80 : i32
          %add3A_242 = arith.addi %mul3A_163, %add3A_241 : i32
          %get3A_243 = arith.index_cast %scan3A_152 : i32 to index
          %get3A_244 = arith.index_cast %add3A_242 : i32 to index
          %get3A_245 = tpu.vector_load %arg12[%get3A_243, %get3A_244] {strides = array<i32>} : memref<8x1024xf32, #tpu.memory_space<vmem>>, vector<1x16xf32>,
          %get3A_246 = vector.shape_cast %get3A_245 : vector<1x16xf32> to vector<16xf32>
          %sub3A_247 = arith.subf %get3A_240, %get3A_246 : vector<16xf32>
          %mul3A_248 = arith.mulf %sub3A_247, %sub3A_247 : vector<16xf32>
          %add3A_249 = arith.addf %add3A_219, %mul3A_248 : vector<16xf32>
          %add3A_250 = arith.constant 96 : i32
          %add3A_251 = arith.addi %mul3A_163, %add3A_250 : i32
          %get3A_252 = arith.index_cast %scan3A_152 : i32 to index
          %get3A_253 = arith.index_cast %add3A_251 : i32 to index
          %get3A_254 = tpu.vector_load %arg11[%get3A_252, %get3A_253] {strides = array<i32>} : memref<8x1024xf32, #tpu.memory_space<vmem>>, vector<1x16xf32>,
          %get3A_255 = vector.shape_cast %get3A_254 : vector<1x16xf32> to vector<16xf32>
          %add3A_256 = arith.constant 96 : i32
          %add3A_257 = arith.addi %mul3A_163, %add3A_256 : i32
          %get3A_258 = arith.index_cast %scan3A_152 : i32 to index
          %get3A_259 = arith.index_cast %add3A_257 : i32 to index
          %get3A_260 = tpu.vector_load %arg12[%get3A_258, %get3A_259] {strides = array<i32>} : memref<8x1024xf32, #tpu.memory_space<vmem>>, vector<1x16xf32>,
          %get3A_261 = vector.shape_cast %get3A_260 : vector<1x16xf32> to vector<16xf32>
          %sub3A_262 = arith.subf %get3A_255, %get3A_261 : vector<16xf32>
          %mul3A_263 = arith.mulf %sub3A_262, %sub3A_262 : vector<16xf32>
          %add3A_264 = arith.addf %add3A_234, %mul3A_263 : vector<16xf32>
          %add3A_265 = arith.constant 112 : i32
          %add3A_266 = arith.addi %mul3A_163, %add3A_265 : i32
          %get3A_267 = arith.index_cast %scan3A_152 : i32 to index
          %get3A_268 = arith.index_cast %add3A_266 : i32 to index
          %get3A_269 = tpu.vector_load %arg11[%get3A_267, %get3A_268] {strides = array<i32>} : memref<8x1024xf32, #tpu.memory_space<vmem>>, vector<1x16xf32>,
          %get3A_270 = vector.shape_cast %get3A_269 : vector<1x16xf32> to vector<16xf32>
          %add3A_271 = arith.constant 112 : i32
          %add3A_272 = arith.addi %mul3A_163, %add3A_271 : i32
          %get3A_273 = arith.index_cast %scan3A_152 : i32 to index
          %get3A_274 = arith.index_cast %add3A_272 : i32 to index
          %get3A_275 = tpu.vector_load %arg12[%get3A_273, %get3A_274] {strides = array<i32>} : memref<8x1024xf32, #tpu.memory_space<vmem>>, vector<1x16xf32>,
          %get3A_276 = vector.shape_cast %get3A_275 : vector<1x16xf32> to vector<16xf32>
          %sub3A_277 = arith.subf %get3A_270, %get3A_276 : vector<16xf32>
          %mul3A_278 = arith.mulf %sub3A_277, %sub3A_277 : vector<16xf32>
          %add3A_279 = arith.addf %add3A_249, %mul3A_278 : vector<16xf32>
          %add3A_280 = arith.addf %add3A_264, %add3A_279 : vector<16xf32>
          %add3A_281 = arith.addf %scan3A_161, %add3A_280 : vector<16xf32>
          scf.yield %add3A_281 : vector<16xf32>
        }
        %scan3A_159 = arith.constant 8 : i32
        scf.yield %scan3A_158 : vector<16xf32>
      }
      %scan3A_115 = arith.constant 8 : i32
      %add3A_116 = arith.constant 2 : i32
      %add3A_117 = arith.addi %mul3A_47, %add3A_116 : i32
      %add3A_118 = arith.constant 3 : i32
      %add3A_119 = arith.addi %add3A_117, %add3A_118 : i32
      %lt3A_120 = arith.constant 16 : i32
      %lt3A_121 = arith.cmpi slt, %add3A_119, %lt3A_120 : i32
      %convert_element_type3A_122 = arith.extui %lt3A_121 : i1 to i32
      %cond3A_123 = arith.constant 0 : i32
      %cond3A_124 = arith.cmpi ne, %convert_element_type3A_122, %cond3A_123 : i32
      scf.if %cond3A_124 {
        %mul3A_152 = arith.constant 8 : i32
        %mul3A_153 = arith.muli %add3A_119, %mul3A_152 : i32
        %add3A_154 = arith.addi %mul3A_2, %mul3A_153 : i32
        %dma_start3A_155 = arith.constant 0 : i32
        %dma_start3A_156 = tpu.memref_slice %arg2[%add3A_154, %dma_start3A_155] : memref<4096x1024xf32, #tpu.memory_space<hbm>> -> memref<8x1024xf32, #tpu.memory_space<hbm>>
        %dma_start3A_157 = arith.constant 0 : i32
        %dma_start3A_158 = tpu.memref_slice %arg2[%add3A_154, %dma_start3A_157] : memref<4096x1024xf32, #tpu.memory_space<hbm>> -> memref<8x1024xf32, #tpu.memory_space<hbm>>
        tpu.enqueue_dma source(%dma_start3A_158 : memref<8x1024xf32, #tpu.memory_space<hbm>>) target(%arg9 : memref<8x1024xf32, #tpu.memory_space<vmem>>) target_semaphore(%arg18 : memref<!tpu.dma_semaphore, #tpu.memory_space<semaphore_mem>>)
        %mul3A_159 = arith.constant 8 : i32
        %mul3A_160 = arith.muli %add3A_119, %mul3A_159 : i32
        %dma_start3A_161 = tpu.memref_slice %arg6[%mul3A_160] : memref<128xi32, #tpu.memory_space<vmem>> -> memref<8xi32, #tpu.memory_space<vmem>>
        %dma_start3A_162 = arith.constant 0 : i32
        %dma_start3A_163 = arith.constant 0 : i32
        %dma_start3A_164 = tpu.memref_slice %arg4[%dma_start3A_162, %dma_start3A_163] : memref<10000x1024xf32, #tpu.memory_space<hbm>> -> memref<10000x1024xf32, #tpu.memory_space<hbm>>
        tpu.enqueue_indirect_dma source(%dma_start3A_164 : memref<10000x1024xf32, #tpu.memory_space<hbm>>) target(%arg10 : memref<8x1024xf32, #tpu.memory_space<vmem>>) offsets(%dma_start3A_161 : memref<8xi32, #tpu.memory_space<vmem>>) semaphore(%arg19 : memref<!tpu.dma_semaphore, #tpu.memory_space<semaphore_mem>>)
      } else {
      }
      %dma_wait3A_125 = arith.constant 0 : i32
      %dma_wait3A_126 = arith.constant 0 : i32
      %dma_wait3A_127 = tpu.memref_slice %arg2[%dma_wait3A_125, %dma_wait3A_126] : memref<4096x1024xf32, #tpu.memory_space<hbm>> -> memref<8x1024xf32, #tpu.memory_space<hbm>>
      %dma_wait3A_128 = arith.constant 0 : i32
      %dma_wait3A_129 = arith.constant 0 : i32
      %dma_wait3A_130 = tpu.memref_slice %arg2[%dma_wait3A_128, %dma_wait3A_129] : memref<4096x1024xf32, #tpu.memory_space<hbm>> -> memref<8x1024xf32, #tpu.memory_space<hbm>>
      tpu.wait_dma2 semaphore(%arg22 : memref<!tpu.dma_semaphore, #tpu.memory_space<semaphore_mem>>) src(%dma_wait3A_130 : memref<8x1024xf32, #tpu.memory_space<hbm>>) dst(%arg13 : memref<8x1024xf32, #tpu.memory_space<vmem>>)
      %dma_wait3A_131 = arith.constant 0 : i32
      %dma_wait3A_132 = arith.constant 0 : i32
      %dma_wait3A_133 = tpu.memref_slice %arg4[%dma_wait3A_131, %dma_wait3A_132] : memref<10000x1024xf32, #tpu.memory_space<hbm>> -> memref<8x1024xf32, #tpu.memory_space<hbm>>
      %dma_wait3A_134 = arith.constant 0 : i32
      %dma_wait3A_135 = arith.constant 0 : i32
      %dma_wait3A_136 = tpu.memref_slice %arg4[%dma_wait3A_134, %dma_wait3A_135] : memref<10000x1024xf32, #tpu.memory_space<hbm>> -> memref<8x1024xf32, #tpu.memory_space<hbm>>
      tpu.wait_dma2 semaphore(%arg23 : memref<!tpu.dma_semaphore, #tpu.memory_space<semaphore_mem>>) src(%dma_wait3A_136 : memref<8x1024xf32, #tpu.memory_space<hbm>>) dst(%arg14 : memref<8x1024xf32, #tpu.memory_space<vmem>>)
      %scan3A_137 = arith.constant 0 : i32
      %scan3A_138 = arith.constant 8 : i32
      %scan3A_139 = arith.addi %scan3A_137, %scan3A_138 : i32
      %scan3A_140 = arith.constant 1 : i32
      %scan3A_141 = scf.for %scan3A_152 = %scan3A_137 to %scan3A_139 step %scan3A_140 iter_args(%scan3A_153 = %scan3A_114) -> (vector<16xf32>)  : i32 {
        %scan3A_154 = arith.constant 0 : i32
        %scan3A_155 = arith.constant 8 : i32
        %scan3A_156 = arith.addi %scan3A_154, %scan3A_155 : i32
        %scan3A_157 = arith.constant 1 : i32
        %scan3A_158 = scf.for %scan3A_160 = %scan3A_154 to %scan3A_156 step %scan3A_157 iter_args(%scan3A_161 = %scan3A_153) -> (vector<16xf32>)  : i32 {
          %mul3A_162 = arith.constant 128 : i32
          %mul3A_163 = arith.muli %scan3A_160, %mul3A_162 : i32
          %add3A_164 = arith.constant 0 : i32
          %add3A_165 = arith.addi %mul3A_163, %add3A_164 : i32
          %get3A = arith.index_cast %scan3A_152 : i32 to index
          %get3A_166 = arith.index_cast %add3A_165 : i32 to index
          %get3A_167 = tpu.vector_load %arg13[%get3A, %get3A_166] {strides = array<i32>} : memref<8x1024xf32, #tpu.memory_space<vmem>>, vector<1x16xf32>,
          %get3A_168 = vector.shape_cast %get3A_167 : vector<1x16xf32> to vector<16xf32>
          %add3A_169 = arith.constant 0 : i32
          %add3A_170 = arith.addi %mul3A_163, %add3A_169 : i32
          %get3A_171 = arith.index_cast %scan3A_152 : i32 to index
          %get3A_172 = arith.index_cast %add3A_170 : i32 to index
          %get3A_173 = tpu.vector_load %arg14[%get3A_171, %get3A_172] {strides = array<i32>} : memref<8x1024xf32, #tpu.memory_space<vmem>>, vector<1x16xf32>,
          %get3A_174 = vector.shape_cast %get3A_173 : vector<1x16xf32> to vector<16xf32>
          %sub3A = arith.subf %get3A_168, %get3A_174 : vector<16xf32>
          %mul3A_175 = arith.mulf %sub3A, %sub3A : vector<16xf32>
          %add3A_176 = arith.constant 16 : i32
          %add3A_177 = arith.addi %mul3A_163, %add3A_176 : i32
          %get3A_178 = arith.index_cast %scan3A_152 : i32 to index
          %get3A_179 = arith.index_cast %add3A_177 : i32 to index
          %get3A_180 = tpu.vector_load %arg13[%get3A_178, %get3A_179] {strides = array<i32>} : memref<8x1024xf32, #tpu.memory_space<vmem>>, vector<1x16xf32>,
          %get3A_181 = vector.shape_cast %get3A_180 : vector<1x16xf32> to vector<16xf32>
          %add3A_182 = arith.constant 16 : i32
          %add3A_183 = arith.addi %mul3A_163, %add3A_182 : i32
          %get3A_184 = arith.index_cast %scan3A_152 : i32 to index
          %get3A_185 = arith.index_cast %add3A_183 : i32 to index
          %get3A_186 = tpu.vector_load %arg14[%get3A_184, %get3A_185] {strides = array<i32>} : memref<8x1024xf32, #tpu.memory_space<vmem>>, vector<1x16xf32>,
          %get3A_187 = vector.shape_cast %get3A_186 : vector<1x16xf32> to vector<16xf32>
          %sub3A_188 = arith.subf %get3A_181, %get3A_187 : vector<16xf32>
          %mul3A_189 = arith.mulf %sub3A_188, %sub3A_188 : vector<16xf32>
          %add3A_190 = arith.constant 32 : i32
          %add3A_191 = arith.addi %mul3A_163, %add3A_190 : i32
          %get3A_192 = arith.index_cast %scan3A_152 : i32 to index
          %get3A_193 = arith.index_cast %add3A_191 : i32 to index
          %get3A_194 = tpu.vector_load %arg13[%get3A_192, %get3A_193] {strides = array<i32>} : memref<8x1024xf32, #tpu.memory_space<vmem>>, vector<1x16xf32>,
          %get3A_195 = vector.shape_cast %get3A_194 : vector<1x16xf32> to vector<16xf32>
          %add3A_196 = arith.constant 32 : i32
          %add3A_197 = arith.addi %mul3A_163, %add3A_196 : i32
          %get3A_198 = arith.index_cast %scan3A_152 : i32 to index
          %get3A_199 = arith.index_cast %add3A_197 : i32 to index
          %get3A_200 = tpu.vector_load %arg14[%get3A_198, %get3A_199] {strides = array<i32>} : memref<8x1024xf32, #tpu.memory_space<vmem>>, vector<1x16xf32>,
          %get3A_201 = vector.shape_cast %get3A_200 : vector<1x16xf32> to vector<16xf32>
          %sub3A_202 = arith.subf %get3A_195, %get3A_201 : vector<16xf32>
          %mul3A_203 = arith.mulf %sub3A_202, %sub3A_202 : vector<16xf32>
          %add3A_204 = arith.addf %mul3A_175, %mul3A_203 : vector<16xf32>
          %add3A_205 = arith.constant 48 : i32
          %add3A_206 = arith.addi %mul3A_163, %add3A_205 : i32
          %get3A_207 = arith.index_cast %scan3A_152 : i32 to index
          %get3A_208 = arith.index_cast %add3A_206 : i32 to index
          %get3A_209 = tpu.vector_load %arg13[%get3A_207, %get3A_208] {strides = array<i32>} : memref<8x1024xf32, #tpu.memory_space<vmem>>, vector<1x16xf32>,
          %get3A_210 = vector.shape_cast %get3A_209 : vector<1x16xf32> to vector<16xf32>
          %add3A_211 = arith.constant 48 : i32
          %add3A_212 = arith.addi %mul3A_163, %add3A_211 : i32
          %get3A_213 = arith.index_cast %scan3A_152 : i32 to index
          %get3A_214 = arith.index_cast %add3A_212 : i32 to index
          %get3A_215 = tpu.vector_load %arg14[%get3A_213, %get3A_214] {strides = array<i32>} : memref<8x1024xf32, #tpu.memory_space<vmem>>, vector<1x16xf32>,
          %get3A_216 = vector.shape_cast %get3A_215 : vector<1x16xf32> to vector<16xf32>
          %sub3A_217 = arith.subf %get3A_210, %get3A_216 : vector<16xf32>
          %mul3A_218 = arith.mulf %sub3A_217, %sub3A_217 : vector<16xf32>
          %add3A_219 = arith.addf %mul3A_189, %mul3A_218 : vector<16xf32>
          %add3A_220 = arith.constant 64 : i32
          %add3A_221 = arith.addi %mul3A_163, %add3A_220 : i32
          %get3A_222 = arith.index_cast %scan3A_152 : i32 to index
          %get3A_223 = arith.index_cast %add3A_221 : i32 to index
          %get3A_224 = tpu.vector_load %arg13[%get3A_222, %get3A_223] {strides = array<i32>} : memref<8x1024xf32, #tpu.memory_space<vmem>>, vector<1x16xf32>,
          %get3A_225 = vector.shape_cast %get3A_224 : vector<1x16xf32> to vector<16xf32>
          %add3A_226 = arith.constant 64 : i32
          %add3A_227 = arith.addi %mul3A_163, %add3A_226 : i32
          %get3A_228 = arith.index_cast %scan3A_152 : i32 to index
          %get3A_229 = arith.index_cast %add3A_227 : i32 to index
          %get3A_230 = tpu.vector_load %arg14[%get3A_228, %get3A_229] {strides = array<i32>} : memref<8x1024xf32, #tpu.memory_space<vmem>>, vector<1x16xf32>,
          %get3A_231 = vector.shape_cast %get3A_230 : vector<1x16xf32> to vector<16xf32>
          %sub3A_232 = arith.subf %get3A_225, %get3A_231 : vector<16xf32>
          %mul3A_233 = arith.mulf %sub3A_232, %sub3A_232 : vector<16xf32>
          %add3A_234 = arith.addf %add3A_204, %mul3A_233 : vector<16xf32>
          %add3A_235 = arith.constant 80 : i32
          %add3A_236 = arith.addi %mul3A_163, %add3A_235 : i32
          %get3A_237 = arith.index_cast %scan3A_152 : i32 to index
          %get3A_238 = arith.index_cast %add3A_236 : i32 to index
          %get3A_239 = tpu.vector_load %arg13[%get3A_237, %get3A_238] {strides = array<i32>} : memref<8x1024xf32, #tpu.memory_space<vmem>>, vector<1x16xf32>,
          %get3A_240 = vector.shape_cast %get3A_239 : vector<1x16xf32> to vector<16xf32>
          %add3A_241 = arith.constant 80 : i32
          %add3A_242 = arith.addi %mul3A_163, %add3A_241 : i32
          %get3A_243 = arith.index_cast %scan3A_152 : i32 to index
          %get3A_244 = arith.index_cast %add3A_242 : i32 to index
          %get3A_245 = tpu.vector_load %arg14[%get3A_243, %get3A_244] {strides = array<i32>} : memref<8x1024xf32, #tpu.memory_space<vmem>>, vector<1x16xf32>,
          %get3A_246 = vector.shape_cast %get3A_245 : vector<1x16xf32> to vector<16xf32>
          %sub3A_247 = arith.subf %get3A_240, %get3A_246 : vector<16xf32>
          %mul3A_248 = arith.mulf %sub3A_247, %sub3A_247 : vector<16xf32>
          %add3A_249 = arith.addf %add3A_219, %mul3A_248 : vector<16xf32>
          %add3A_250 = arith.constant 96 : i32
          %add3A_251 = arith.addi %mul3A_163, %add3A_250 : i32
          %get3A_252 = arith.index_cast %scan3A_152 : i32 to index
          %get3A_253 = arith.index_cast %add3A_251 : i32 to index
          %get3A_254 = tpu.vector_load %arg13[%get3A_252, %get3A_253] {strides = array<i32>} : memref<8x1024xf32, #tpu.memory_space<vmem>>, vector<1x16xf32>,
          %get3A_255 = vector.shape_cast %get3A_254 : vector<1x16xf32> to vector<16xf32>
          %add3A_256 = arith.constant 96 : i32
          %add3A_257 = arith.addi %mul3A_163, %add3A_256 : i32
          %get3A_258 = arith.index_cast %scan3A_152 : i32 to index
          %get3A_259 = arith.index_cast %add3A_257 : i32 to index
          %get3A_260 = tpu.vector_load %arg14[%get3A_258, %get3A_259] {strides = array<i32>} : memref<8x1024xf32, #tpu.memory_space<vmem>>, vector<1x16xf32>,
          %get3A_261 = vector.shape_cast %get3A_260 : vector<1x16xf32> to vector<16xf32>
          %sub3A_262 = arith.subf %get3A_255, %get3A_261 : vector<16xf32>
          %mul3A_263 = arith.mulf %sub3A_262, %sub3A_262 : vector<16xf32>
          %add3A_264 = arith.addf %add3A_234, %mul3A_263 : vector<16xf32>
          %add3A_265 = arith.constant 112 : i32
          %add3A_266 = arith.addi %mul3A_163, %add3A_265 : i32
          %get3A_267 = arith.index_cast %scan3A_152 : i32 to index
          %get3A_268 = arith.index_cast %add3A_266 : i32 to index
          %get3A_269 = tpu.vector_load %arg13[%get3A_267, %get3A_268] {strides = array<i32>} : memref<8x1024xf32, #tpu.memory_space<vmem>>, vector<1x16xf32>,
          %get3A_270 = vector.shape_cast %get3A_269 : vector<1x16xf32> to vector<16xf32>
          %add3A_271 = arith.constant 112 : i32
          %add3A_272 = arith.addi %mul3A_163, %add3A_271 : i32
          %get3A_273 = arith.index_cast %scan3A_152 : i32 to index
          %get3A_274 = arith.index_cast %add3A_272 : i32 to index
          %get3A_275 = tpu.vector_load %arg14[%get3A_273, %get3A_274] {strides = array<i32>} : memref<8x1024xf32, #tpu.memory_space<vmem>>, vector<1x16xf32>,
          %get3A_276 = vector.shape_cast %get3A_275 : vector<1x16xf32> to vector<16xf32>
          %sub3A_277 = arith.subf %get3A_270, %get3A_276 : vector<16xf32>
          %mul3A_278 = arith.mulf %sub3A_277, %sub3A_277 : vector<16xf32>
          %add3A_279 = arith.addf %add3A_249, %mul3A_278 : vector<16xf32>
          %add3A_280 = arith.addf %add3A_264, %add3A_279 : vector<16xf32>
          %add3A_281 = arith.addf %scan3A_161, %add3A_280 : vector<16xf32>
          scf.yield %add3A_281 : vector<16xf32>
        }
        %scan3A_159 = arith.constant 8 : i32
        scf.yield %scan3A_158 : vector<16xf32>
      }
      %scan3A_142 = arith.constant 8 : i32
      %add3A_143 = arith.constant 3 : i32
      %add3A_144 = arith.addi %mul3A_47, %add3A_143 : i32
      %add3A_145 = arith.constant 3 : i32
      %add3A_146 = arith.addi %add3A_144, %add3A_145 : i32
      %lt3A_147 = arith.constant 16 : i32
      %lt3A_148 = arith.cmpi slt, %add3A_146, %lt3A_147 : i32
      %convert_element_type3A_149 = arith.extui %lt3A_148 : i1 to i32
      %cond3A_150 = arith.constant 0 : i32
      %cond3A_151 = arith.cmpi ne, %convert_element_type3A_149, %cond3A_150 : i32
      scf.if %cond3A_151 {
        %mul3A_152 = arith.constant 8 : i32
        %mul3A_153 = arith.muli %add3A_146, %mul3A_152 : i32
        %add3A_154 = arith.addi %mul3A_2, %mul3A_153 : i32
        %dma_start3A_155 = arith.constant 0 : i32
        %dma_start3A_156 = tpu.memref_slice %arg2[%add3A_154, %dma_start3A_155] : memref<4096x1024xf32, #tpu.memory_space<hbm>> -> memref<8x1024xf32, #tpu.memory_space<hbm>>
        %dma_start3A_157 = arith.constant 0 : i32
        %dma_start3A_158 = tpu.memref_slice %arg2[%add3A_154, %dma_start3A_157] : memref<4096x1024xf32, #tpu.memory_space<hbm>> -> memref<8x1024xf32, #tpu.memory_space<hbm>>
        tpu.enqueue_dma source(%dma_start3A_158 : memref<8x1024xf32, #tpu.memory_space<hbm>>) target(%arg11 : memref<8x1024xf32, #tpu.memory_space<vmem>>) target_semaphore(%arg20 : memref<!tpu.dma_semaphore, #tpu.memory_space<semaphore_mem>>)
        %mul3A_159 = arith.constant 8 : i32
        %mul3A_160 = arith.muli %add3A_146, %mul3A_159 : i32
        %dma_start3A_161 = tpu.memref_slice %arg6[%mul3A_160] : memref<128xi32, #tpu.memory_space<vmem>> -> memref<8xi32, #tpu.memory_space<vmem>>
        %dma_start3A_162 = arith.constant 0 : i32
        %dma_start3A_163 = arith.constant 0 : i32
        %dma_start3A_164 = tpu.memref_slice %arg4[%dma_start3A_162, %dma_start3A_163] : memref<10000x1024xf32, #tpu.memory_space<hbm>> -> memref<10000x1024xf32, #tpu.memory_space<hbm>>
        tpu.enqueue_indirect_dma source(%dma_start3A_164 : memref<10000x1024xf32, #tpu.memory_space<hbm>>) target(%arg12 : memref<8x1024xf32, #tpu.memory_space<vmem>>) offsets(%dma_start3A_161 : memref<8xi32, #tpu.memory_space<vmem>>) semaphore(%arg21 : memref<!tpu.dma_semaphore, #tpu.memory_space<semaphore_mem>>)
      } else {
      }
      scf.yield %scan3A_141 : vector<16xf32>
    }
    %scan3A_40 = arith.constant 4 : i32
    %swap3A = arith.constant 0 : index
    %swap3A_41 = tpu.vector_load %arg15[%swap3A] {strides = array<i32>} : memref<16xf32, #tpu.memory_space<vmem>>, vector<16xf32>,
    %swap3A_42 = vector.shape_cast %swap3A_41 : vector<16xf32> to vector<16xf32>
    %swap3A_43 = vector.shape_cast %scan3A_39 : vector<16xf32> to vector<16xf32>
    tpu.vector_store %arg15[%swap3A], %swap3A_43 {strides = array<i32>} : memref<16xf32, #tpu.memory_space<vmem>>, vector<16xf32>,
    "tpu.region"() ({
      %run_scoped3A = tpu.sem_alloc : memref<!tpu.dma_semaphore, #tpu.memory_space<semaphore_mem>>
      %dma_start3A_44 = arith.constant 0 : i32
      %dma_start3A_45 = tpu.memref_slice %arg5[%add3A, %dma_start3A_44] : memref<32x16xf32, #tpu.memory_space<hbm>> -> memref<1x16xf32, #tpu.memory_space<hbm>>
      %dma_start3A_46 = tpu.memref_squeeze %dma_start3A_45 : memref<1x16xf32, #tpu.memory_space<hbm>> -> memref<16xf32, #tpu.memory_space<hbm>>
      %dma_start3A_47 = arith.constant 0 : i32
      %dma_start3A_48 = tpu.memref_slice %arg5[%add3A, %dma_start3A_47] : memref<32x16xf32, #tpu.memory_space<hbm>> -> memref<1x16xf32, #tpu.memory_space<hbm>>
      %dma_start3A_49 = tpu.memref_squeeze %dma_start3A_48 : memref<1x16xf32, #tpu.memory_space<hbm>> -> memref<16xf32, #tpu.memory_space<hbm>>
      tpu.enqueue_dma source(%arg15 : memref<16xf32, #tpu.memory_space<vmem>>) target(%dma_start3A_49 : memref<16xf32, #tpu.memory_space<hbm>>) target_semaphore(%run_scoped3A : memref<!tpu.dma_semaphore, #tpu.memory_space<semaphore_mem>>)
      %dma_wait3A = arith.constant 0 : i32
      %dma_wait3A_50 = tpu.memref_slice %arg5[%add3A, %dma_wait3A] : memref<32x16xf32, #tpu.memory_space<hbm>> -> memref<1x16xf32, #tpu.memory_space<hbm>>
      %dma_wait3A_51 = tpu.memref_squeeze %dma_wait3A_50 : memref<1x16xf32, #tpu.memory_space<hbm>> -> memref<16xf32, #tpu.memory_space<hbm>>
      %dma_wait3A_52 = arith.constant 0 : i32
      %dma_wait3A_53 = tpu.memref_slice %arg5[%add3A, %dma_wait3A_52] : memref<32x16xf32, #tpu.memory_space<hbm>> -> memref<1x16xf32, #tpu.memory_space<hbm>>
      %dma_wait3A_54 = tpu.memref_squeeze %dma_wait3A_53 : memref<1x16xf32, #tpu.memory_space<hbm>> -> memref<16xf32, #tpu.memory_space<hbm>>
      tpu.wait_dma2 semaphore(%run_scoped3A : memref<!tpu.dma_semaphore, #tpu.memory_space<semaphore_mem>>) src(%arg15 : memref<16xf32, #tpu.memory_space<vmem>>) dst(%dma_wait3A_54 : memref<16xf32, #tpu.memory_space<hbm>>)
      tpu.yield
    }) : () -> ()
    return
  }
}

</mosaic_0001>

<sc_bundles>
// kernel: kernel.3.cloned.1.call-start
scs
__scs_entry_jumppad:
0x0: {  	(pc) =	sbr.rel $0x88, $3  }
0x1: {  	(tag) =	ssettag $0x0;
	lr =	simm.s32 $0x1  }
0x2: {  	[smem:$0x3F9E] =	sst lr;
	_ =	strace $0xD0000000  }
0x3: {  	_ = 	snop  }
0x4: {  	_ = 	snop  }
0x5: {  	_ = 	snop  }
0x6: {  	_ = 	snop  }
0x7: {  	_ = 	snop  }
__scs_overlays_trampoline_lowered:
0x8: {  	[smem:$0x3FAD] =	sst s0  }
0x9: {  	[smem:$0x3FAE] =	sst s1  }
0xa: {  	[smem:$0x3FAF] =	sst s2  }
0xb: {  	[smem:$0x3FB0] =	sst s3  }
0xc: {  	[smem:$0x3FB1] =	sst s4  }
0xd: {  	[smem:$0x3FB2] =	sst s5  }
0xe: {  	[smem:$0x3FB3] =	sst s6  }
0xf: {  	[smem:$0x3FB4] =	sst s7  }
0x10: {  	[smem:$0x3FB5] =	sst s8  }
0x11: {  	[smem:$0x3FB6] =	sst s9;
	s0 =	simm.s32 @!p0 $0x0  }
0x12: {  	s1 =	sld [smem:$0x3F9C];
	s0 =	simm.s32 @p0 $0x1  }
0x13: {  	[smem:$0x3FB7] =	sst s0;
	s0 =	simm.s32 @!p1 $0x0  }
0x14: {  	s2 =	sld [smem:$0x3F9B];
	s0 =	simm.s32 @p1 $0x1  }
0x15: {  	[smem:$0x3FB8] =	sst s0;
	s0 =	simm.s32 @!p2 $0x0  }
0x16: {  	s3 =	sld [smem:$0x3FDB];
	s0 =	simm.s32 @p2 $0x1  }
0x17: {  	s4 =	simm.s32 $0x1BF5;
	[smem:$0x3FBA] =	sst s0  }
0x18: {  	s0 =	sld [smem:$0x3F9D];
	_ =	swait.ge [sflag:s4], $0x0  }
0x19: {  	s7 =	sld [smem:$0x3F9E]  }
0x1a: {  	s8 =	sadd.s32 $0xFFFFE003, lr  }
0x1b: {  	s9 =	sadd.s32 $0xFFFFFEF7, lr;
	s5 =	simm.s32 $0xFFFFFFFF;
	p2 =	slt.u32 s8, $0xFFFFF086  }
0x1c: {  	p1 =	slt.u32 s9, $0xF7A;
	s5 =	simm.s32 @!p2 $0x0  }
0x1d: {  	s5 =	simm.s32 @p1 $0x1;
	p0 =	seq.s32 s7, s2  }
0x1e: {  	s7 =	smul.u32 @!p0 $0xF7A, s2;
	p2 =	seq.s32 @!p0 s5, $0x0  }
0x1f: {  	s9 =	smul.u32 $0xF7A, s1;
	s8 =	simm.s32 @!p0 $0x1BF5;
	p2 =	por !p2, p0  }
0x20: {  	[sflag:s8] =	ssyncset.s32 @!p0 $0xFFFFF086;
	s6 =	sadd.s32 @!p0 s3, s7;
	s7 =	simm.s32 @!p0 $0x108  }
0x21: {  	s3 =	sadd.s32 s3, s9;
	s6 =	sadd.s32 @!p0 $0x88, s6;
	s7 =	simm.s32 @p2 $0x1082  }
0x22: {  	[simem:s7], [sflag:s8] =	dma.local @!p0 [hbm:s6], $0xF7A  }
0x23: {  	s9 =	sor.u32 $0xD0000000, s2;
	s6 =	simm.s32 $0x108;
	_ =	swait.ge @!p0 [sflag:s8], $0x0  }
0x24: {  	s3 =	sadd.s32 $0x88, s3;
	s6 =	simm.s32 @!p1 $0x1082;
	[sflag:s4] =	ssyncset.s32 $0xFFFFF086  }
0x25: {  	[simem:s6], [sflag:s4] =	dma.local [hbm:s3], $0xF7A  }
0x26: {  	[smem:$0x3F9E] =	sst s1;
	(tag) =	ssettag s2;
	_ =	strace s9  }
0x27: {  	s1 =	sld [smem:$0x3FAE]  }
0x28: {  	s2 =	sld [smem:$0x3FAF]  }
0x29: {  	s4 =	sld [smem:$0x3FB1]  }
0x2a: {  	p0 =	seq.s32 s5, $0x0;
	s5 =	sld [smem:$0x3FB2]  }
0x2b: {  	s6 =	sld [smem:$0x3FB3]  }
0x2c: {  	s7 =	sld [smem:$0x3FB4]  }
0x2d: {  	s3 =	simm.s32 $0x108;
	s8 =	sld [smem:$0x3FB5]  }
0x2e: {  	s3 =	simm.s32 @!p0 $0x1082;
	s9 =	sld [smem:$0x3FB6]  }
0x2f: {  	lr =	sadd.s32 s0, s3;
	s0 =	sld [smem:$0x3FAD]  }
0x30: {  	s3 =	sld [smem:$0x3FB0]  }
0x31: {  	[smem:$0x3FB9] =	sst s10  }
0x32: {  	s10 =	sld [smem:$0x3FB7];
	_ =	sdelay $0x3  }
0x33: {  	p0 =	seq.s32 s10, $0x1;
	s10 =	sld [smem:$0x3FB9];
	_ =	sdelay $0x3  }
0x34: {  	[smem:$0x3FB9] =	sst s10  }
0x35: {  	s10 =	sld [smem:$0x3FB8];
	_ =	sdelay $0x3  }
0x36: {  	p1 =	seq.s32 s10, $0x1;
	s10 =	sld [smem:$0x3FB9];
	_ =	sdelay $0x3  }
0x37: {  	[smem:$0x3FB9] =	sst s10  }
0x38: {  	s10 =	sld [smem:$0x3FBA]  }
0x39: {  	_ = 	snop;
	(pc) =	sbr.ind lr, $3  }
0x3a: {  	_ = 	snop  }
0x3b: {  	_ = 	snop  }
0x3c: {  	p2 =	seq.s32 s10, $0x1;
	s10 =	sld [smem:$0x3FB9]  }
0x3d: {  	_ =	shalt  }
0x3e: {  	_ =	shalt  }
0x3f: {  	_ =	shalt  }
0x40: {  	_ =	shalt  }
0x41: {  	_ =	shalt  }
0x42: {  	_ =	shalt  }
0x43: {  	_ =	shalt  }
0x44: {  	_ =	shalt  }
0x45: {  	_ =	shalt  }
0x46: {  	_ =	shalt  }
0x47: {  	_ =	shalt  }
0x48: {  	_ =	shalt  }
0x49: {  	_ =	shalt  }
0x4a: {  	_ =	shalt  }
0x4b: {  	_ =	shalt  }
0x4c: {  	_ =	shalt  }
0x4d: {  	_ =	shalt  }
0x4e: {  	_ =	shalt  }
0x4f: {  	_ =	shalt  }
0x50: {  	_ =	shalt  }
0x51: {  	_ =	shalt  }
0x52: {  	_ =	shalt  }
0x53: {  	_ =	shalt  }
0x54: {  	_ =	shalt  }
0x55: {  	_ =	shalt  }
0x56: {  	_ =	shalt  }
0x57: {  	_ =	shalt  }
0x58: {  	_ =	shalt  }
0x59: {  	_ =	shalt  }
0x5a: {  	_ =	shalt  }
0x5b: {  	_ =	shalt  }
0x5c: {  	_ =	shalt  }
0x5d: {  	_ =	shalt  }
0x5e: {  	_ =	shalt  }
0x5f: {  	_ =	shalt  }
0x60: {  	_ =	shalt  }
0x61: {  	_ =	shalt  }
0x62: {  	_ =	shalt  }
0x63: {  	_ =	shalt  }
0x64: {  	_ =	shalt  }
0x65: {  	_ =	shalt  }
0x66: {  	_ =	shalt  }
0x67: {  	_ =	shalt  }
0x68: {  	_ =	shalt  }
0x69: {  	_ =	shalt  }
0x6a: {  	_ =	shalt  }
0x6b: {  	_ =	shalt  }
0x6c: {  	_ =	shalt  }
0x6d: {  	_ =	shalt  }
0x6e: {  	_ =	shalt  }
0x6f: {  	_ =	shalt  }
0x70: {  	_ =	shalt  }
0x71: {  	_ =	shalt  }
0x72: {  	_ =	shalt  }
0x73: {  	_ =	shalt  }
0x74: {  	_ =	shalt  }
0x75: {  	_ =	shalt  }
0x76: {  	_ =	shalt  }
0x77: {  	_ =	shalt  }
0x78: {  	_ =	shalt  }
0x79: {  	_ =	shalt  }
0x7a: {  	_ =	shalt  }
0x7b: {  	_ =	shalt  }
0x7c: {  	_ =	shalt  }
0x7d: {  	_ =	shalt  }
0x7e: {  	_ =	shalt  }
0x7f: {  	_ =	shalt  }
0x80: {  	_ =	shalt  }
0x81: {  	_ =	shalt  }
0x82: {  	_ =	shalt  }
0x83: {  	_ =	shalt  }
0x84: {  	_ =	shalt  }
0x85: {  	_ =	shalt  }
0x86: {  	_ =	shalt  }
0x87: {  	_ =	shalt  }
.Lfunc_end0:
.L_simem_size_0:
called_computation_lowered:
.L_overlay_start_0:
0x88: {  	s2 =	sld [smem:$0x3FD9]  }
0x89: {  	s3 =	sld [smem:$0x3FFE];
	_ =	sdelay $0x1  }
0x8a: {  	s1 =	srdreg.scid  }
0x8b: {  	s0 =	sand.u32 $0x1, s1  }
0x8c: {  	s17 =	sshll.u32 s0, $0xA;
	s2 =	sadd.s32 s3, s2  }
0x8d: {  	s2 =	sadd.s32 s2, s17  }
0x8e: {  	[smem:$0x3FC5] =	sst s2  }
0x8f: {  	_ = 	snop  }
0x90: {  	s2 =	sld [smem:$0x3FC9]  }
0x91: {  	s18 =	sld [smem:$0x3FC8]  }
0x92: {  	s4 =	sld [smem:$0x3FC7];
	(tm) =	ssettm $0x1  }
0x93: {  	s5 =	sld [smem:$0x3FFB];
	_ =	sdelay $0x3  }
0x94: {  	_ =	strace s5  }
0x95: {  	s5 =	sld [smem:$0x3FFC];
	_ =	sdelay $0x3  }
0x96: {  	_ =	strace s5  }
0x97: {  	s5 =	sld [smem:$0x3FFD];
	_ =	sdelay $0x3  }
0x98: {  	_ =	strace s5  }
0x99: {  	_ =	strace $0x8FFFFFFF  }
0x9a: {  	s19 =	sld [smem:$0x3FDB];
	_ =	sdelay $0x1  }
0x9b: {  	s6 =	simm.s32 $_scs_section_size  }
0x9c: {  	s7 =	simm.s32 $_size__tile_overlayer_lowered;
	s8 =	simm.s32 $_tile_overlayer_lowered  }
0x9d: {  	s22 =	simm.s32 $0x1BFF;
	s21 =	sshll.u32 s8, $0x1;
	s5 =	sadd.s32 s6, s19  }
0x9e: {  	s9 =	simm.s32 $0x0;
	s20 =	sshll.u32 s7, $0x1;
	s7 =	sadd.s32 s21, s5  }
0x9f: {  	[timem:s9], [sflag:s22] =	dma.local [hbm:s7], s20  }
0xa0: {  	_ =	swait.ge [sflag:s22], s20  }
0xa1: {  	s6 =	ssub.s32 $0x0, s20;
	[sflag:s22] =	ssyncset.done $0x0  }
0xa2: {  	[sflag:s22] =	ssyncadd.s32 s6;
	_ =	sdelay $0x1  }
0xa3: {  	s23 =	simm.s32 $0x1B8B  }
0xa4: {  	_ =	swait.ge [sflag:s23], $0x1  }
0xa5: {  	[sflag:s23] =	ssyncset.done $0x0  }
0xa6: {  	s25 =	simm.s32 $0x1B8E;
	s24 =	sld [smem:$0x3FFE];
	[sflag:s23] =	ssyncadd.s32 $0xFFFFFFFF  }
0xa7: {  	s26 =	simm.s32 $execute0_lowered;
	[smem:$0x3FD2] =	sst s25  }
0xa8: {  	s7 =	sshll.u32 s26, $0x1;
	_ =	strace $0x80000046;
	[dreg:$0x1] =	wrdreg $0xFFFFFFFF  }
0xa9: {  	s28 =	simm.s32 $_size_execute0_lowered;
	s5 =	sadd.s32 s5, s7;
	[dreg:$0x0] =	wrdreg $0x0  }
0xaa: {  	s7 =	sshll.u32 s28, $0x1;
	[dreg:$0x2] =	wrdreg s5  }
0xab: {  	[dreg:$0x3] =	wrdreg s7  }
0xac: {  	[dreg:$0x4] =	wrdreg $0xC0  }
0xad: {  	_ =	task [dreg:s9], $0x5FFFF  }
0xae: {  	[dreg:$0x1] =	wrdreg $0xFFFFFFFF  }
0xaf: {  	[dreg:$0x0] =	wrdreg $0x60  }
0xb0: {  	[dreg:$0x2] =	wrdreg s2  }
0xb1: {  	[dreg:$0x3] =	wrdreg s18  }
0xb2: {  	[dreg:$0x4] =	wrdreg s4  }
0xb3: {  	[dreg:$0x5] =	wrdreg s24  }
0xb4: {  	[dreg:$0x6] =	wrdreg $0x9  }
0xb5: {  	_ =	task.clear_ibuf [dreg:s9], $0x7FFFF;
	_ =	strace $0x90000046  }
0xb6: {  	s29 =	simm.s32 $0x9;
	_ =	strace $0x80000048  }
0xb7: {  	_ =	swait.ge [sflag:s29], $0x1  }
0xb8: {  	[sflag:s29] =	ssyncadd.s32 $0xFFFFFFFF  }
0xb9: {  	_ =	strace $0x90000048  }
0xba: {  	_ =	sfence  }
0xbb: {  	s30 =	sld [smem:$0x0];
	_ =	sdelay $0x2  }
0xbc: {  	s31 =	sshll.u32 s1, $0xD;
	s1 =	sshrl.u32 s1, $0x2  }
0xbd: {  	s3 =	sand.u32 $0x4000, s31;
	s1 =	sadd.s32 s1, s30  }
0xbe: {  	s0 =	sor.u32 s3, s0;
	s1 =	sshll.u32 s1, $0x11  }
0xbf: {  	s0 =	sor.u32 s1, s0  }
0xc0: {  	s0 =	sadd.s32 $0x8F2B, s0  }
0xc1: {  	[sflag:s0] =	ssyncadd.remote.s32 $0x1  }
0xc2: {  	_ =	sfence.sel $0xFFFF  }
0xc3: {  	[dreg:$0x0] =	wrdreg $0xFFFFFFFF;
	(pc) =	sbr.abs _section_cstart, $3  }
0xc4: {  	[dreg:$0x1] =	wrdreg $0xFFFFFFFF  }
0xc5: {  	_ =	task.clear_ibuf [dreg:s9], $0x2FFFF;
	_ =	strace $0x9FFFFFFF  }
0xc6: {  	(tm) =	ssettm $0x7FFFFFFF  }
0xc7: {  	_ =	shalt  }
tec
execute0_lowered:
.L_overlay_start_1:
0x0: {  	(tag) =	ssettag $0x1  }
0x1: {  	s1 =	rddreg [dreg:$0x0]  }
0x2: {  	s0 =	rddreg [dreg:$0x1]  }
0x3: {  	s3 =	rddreg [dreg:$0x2]  }
0x4: {  	s2 =	rddreg [dreg:$0x3];
	s4 =	srdreg.scid  }
0x5: {  	s7 =	stileid.u32;
	s28 =	simm.s32 $0xA080;
	s29 =	simm.s32 $0xA880  }
0x6: {  	s30 =	simm.s32 $0xB080;
	s31 =	simm.s32 $0xB880;
	s15 =	simm.s32 $0xC080  }
0x7: {  	s16 =	simm.s32 $0xE080;
	s19 =	simm.s32 $0xE880;
	s20 =	simm.s32 $0xF080  }
0x8: {  	s21 =	simm.s32 $0xF880;
	s22 =	simm.s32 $0x3;
	s23 =	simm.s32 $0x4  }
0x9: {  	s5 =	sand.u32 $0x1, s4;
	s4 =	simm.s32 $0x0;
	s7 =	sshll.u32 s7, $0x1  }
0xa: {  	s10 =	sadd.s32 $0x100, s3;
	s11 =	sadd.s32 $0x200, s3;
	s12 =	sadd.s32 $0x300, s3  }
0xb: {  	s6 =	ssub.s32 $0x2, s5;
	[smem:$0x7FF] =	sst s4;
	s7 =	sor.u32 s5, s7  }
0xc: {  	s8 =	sshrl.u32 s6, $0x1;
	s24 =	sshll.u32 s7, $0xE;
	s5 =	sshll.u32 s7, $0x7  }
0xd: {  	s7 =	sshll.u32 s7, $0x4;
	s6 =	ssub.s32 s6, s8;
	s8 =	sadd.s32 s1, s24  }
0xe: {  	_ =	strace $0x80000047;
	s0 =	sadd.s32 s0, s7;
	[dreg:$0x5] =	wrdreg s8  }
0xf: {  	s25 =	sadd.s32 s2, s7;
	s2 =	simm.s32 $0x2;
	[dreg:$0x8] =	wrdreg s0  }
.Ltmp0:
0x10: {  	s9 =	sadd.s32 $0x400, s8;
	[dreg:$0x9] =	wrdreg s25;
	(pc) =	sbr.rel .LBB2_1-.Ltmp0, $4  }
0x11: {  	s24 =	simm.s32 $0x5;
	s8 =	sadd.s32 $0x800, s8;
	[dreg:$0x6] =	wrdreg s9  }
0x12: {  	v0 =	vlaneseq.u32;
	s7 =	simm.s32 $0x8;
	s26 =	smax.u32 s6, $0x1;
	[dreg:$0x7] =	wrdreg s8  }
0x13: {  	v1 =	vshrl.u32 v0, $0x3;
	s0 =	simm.s32 $0x1;
	s25 =	simm.s32 $0x6;
	[dreg:$0xa] =	wrdreg s26  }
0x14: {  	vm0 =	vmmov $0xffff;
	v0 =	vand.u32 $0x7, v0;
	v1 =	vmul.u32 $0x8, v1;
	s9 =	simm.s32 $0x9;
	s26 =	simm.s32 $0x7;
	s8 =	simm.s32 $0x0  }
.LBB2_20:
0x15: {  	[tilespmem:$0x10080] =	vst v2;
	s6 =	rddreg [dreg:$0x9];
	s8 =	simm.s32 $0x10080;
	s9 =	simm.s32 $0x9  }
0x16: {  	[hbm4b:s6+s4] =	stream.linear.scatter [tilespmem:s8], [sflag:$0x9], $0x80, $0x38;
	[tilespmem:$0x10100] =	vst v63  }
0x17: {  	_ =	swait.ge [sflag:s9], $0x80  }
0x18: {  	s17 =	rddreg [dreg:$0xb]  }
0x19: {  	s18 =	rddreg [dreg:$0xa];
	s8 =	sadd.s32 $0x1, s17  }
0x1a: {  	p0 =	sne.s32 s8, s18  }
.Ltmp1:
0x1b: {  	_ = 	snop;
	(pc) =	sbr.rel @!p0 .LBB2_21-.Ltmp1, $3  }
0x1c: {  	_ =	sdelay $0x1  }
0x1d: {  	[sflag:s9] =	ssyncset.done $0x0  }
0x1e: {  	[sflag:s9] =	ssyncadd.s32 $0xFFFFFF80  }
.LBB2_1:
0x1f: {  	[dreg:$0xb] =	wrdreg s8  }
0x20: {  	s6 =	rddreg [dreg:$0x5];
	s14 =	simm.s32 $0x80  }
0x21: {  	[tilespmem:s14], [sflag:$0x1] =	stream.linear.gather [hbm4b:s6+s4], $0x2000, $0x38;
	[tilespmem:$0x10100] =	vst v63  }
0x22: {  	s17 =	rddreg [dreg:$0x6];
	s18 =	simm.s32 $0x4080  }
0x23: {  	[tilespmem:s18], [sflag:$0x3] =	stream.linear.gather [hbm4b:s17+s4], $0x2000, $0x38;
	[tilespmem:$0x10100] =	vst v63  }
0x24: {  	s8 =	rddreg [dreg:$0x7];
	s13 =	simm.s32 $0x8080  }
0x25: {  	[tilespmem:s13], [sflag:$0x5] =	stream.linear.gather [hbm4b:s8+s4], $0x2000, $0x38;
	[tilespmem:$0x10100] =	vst v63  }
0x26: {  	s14 =	rddreg [dreg:$0x8]  }
0x27: {  	[tilespmem:s4], [sflag:$0x9] =	stream.linear.gather [hbm4b:s14+s4], $0x80, $0x38;
	[tilespmem:$0x10100] =	vst v63  }
0x28: {  	_ =	swait.ge [sflag:s9], $0x80  }
0x29: {  	[sflag:s9] =	ssyncset.done $0x0  }
0x2a: {  	[sflag:s9] =	ssyncadd.s32 $0xFFFFFF80  }
0x2b: {  	v2 =	vld.msk [tilespmem:$0x0], $0xff;
	_ =	sdelay $0x4  }
0x2c: {  	v3 =	vshll.u32 v2, $0x3  }
0x2d: {  	v2 =	vand.u32 $0x7, v2;
	v3 =	vand.u32 $0xFFFFFFC0, v3  }
0x2e: {  	v2 =	vor.u32 v2, v3  }
0x2f: {  	v2 =	vperm.xlane v2, v0;
	_ =	sdelay $0x1  }
0x30: {  	v2 =	vadd.s32 v1, v2;
	_ =	sdelay $0x3  }
0x31: {  	s17 =	simm.s32 $0x2080  }
0x32: {  	[tilespmem:s17], [sflag:$0x2] =	stream.indirect_vreg.gather [hbm4b:s3+s4], $0x80, v2, vm0, $0xb8;
	[tilespmem:$0x10100] =	vst v63  }
0x33: {  	s18 =	simm.s32 $0x2880  }
0x34: {  	[tilespmem:s18], [sflag:$0x2] =	stream.indirect_vreg.gather [hbm4b:s10+s4], $0x80, v2, vm0, $0xb8;
	[tilespmem:$0x10100] =	vst v63  }
0x35: {  	s8 =	simm.s32 $0x3080  }
0x36: {  	[tilespmem:s8], [sflag:$0x2] =	stream.indirect_vreg.gather [hbm4b:s11+s4], $0x80, v2, vm0, $0xb8;
	[tilespmem:$0x10100] =	vst v63  }
0x37: {  	s9 =	simm.s32 $0x3880  }
0x38: {  	[tilespmem:s9], [sflag:$0x2] =	stream.indirect_vreg.gather [hbm4b:s12+s4], $0x80, v2, vm0, $0xb8;
	[tilespmem:$0x10100] =	vst v63  }
0x39: {  	v2 =	vld.msk [tilespmem:$0x8], $0xff;
	_ =	sdelay $0x4  }
0x3a: {  	v3 =	vshll.u32 v2, $0x3  }
0x3b: {  	v2 =	vand.u32 $0x7, v2;
	v3 =	vand.u32 $0xFFFFFFC0, v3  }
0x3c: {  	v2 =	vor.u32 v2, v3  }
0x3d: {  	v2 =	vperm.xlane v2, v0;
	_ =	sdelay $0x1  }
0x3e: {  	v2 =	vadd.s32 v1, v2;
	_ =	sdelay $0x3  }
0x3f: {  	s13 =	simm.s32 $0x6080  }
0x40: {  	[tilespmem:s13], [sflag:$0x4] =	stream.indirect_vreg.gather [hbm4b:s3+s4], $0x80, v2, vm0, $0xb8;
	[tilespmem:$0x10100] =	vst v63  }
0x41: {  	s14 =	simm.s32 $0x6880  }
0x42: {  	[tilespmem:s14], [sflag:$0x4] =	stream.indirect_vreg.gather [hbm4b:s10+s4], $0x80, v2, vm0, $0xb8;
	[tilespmem:$0x10100] =	vst v63  }
0x43: {  	s17 =	simm.s32 $0x7080  }
0x44: {  	[tilespmem:s17], [sflag:$0x4] =	stream.indirect_vreg.gather [hbm4b:s11+s4], $0x80, v2, vm0, $0xb8;
	[tilespmem:$0x10100] =	vst v63  }
0x45: {  	s18 =	simm.s32 $0x7880  }
0x46: {  	[tilespmem:s18], [sflag:$0x4] =	stream.indirect_vreg.gather [hbm4b:s12+s4], $0x80, v2, vm0, $0xb8;
	[tilespmem:$0x10100] =	vst v63  }
0x47: {  	v2 =	vld.msk [tilespmem:$0x10], $0xff;
	_ =	sdelay $0x4  }
0x48: {  	v3 =	vshll.u32 v2, $0x3  }
0x49: {  	v2 =	vand.u32 $0x7, v2;
	v3 =	vand.u32 $0xFFFFFFC0, v3  }
0x4a: {  	v2 =	vor.u32 v2, v3  }
0x4b: {  	v2 =	vperm.xlane v2, v0;
	_ =	sdelay $0x1  }
0x4c: {  	v2 =	vadd.s32 v1, v2;
	_ =	sdelay $0x4  }
0x4d: {  	[tilespmem:s28], [sflag:$0x6] =	stream.indirect_vreg.gather [hbm4b:s3+s4], $0x80, v2, vm0, $0xb8;
	[tilespmem:$0x10100] =	vst v63  }
0x4e: {  	_ = 	snop  }
0x4f: {  	[tilespmem:s29], [sflag:$0x6] =	stream.indirect_vreg.gather [hbm4b:s10+s4], $0x80, v2, vm0, $0xb8;
	[tilespmem:$0x10100] =	vst v63  }
0x50: {  	_ = 	snop  }
0x51: {  	[tilespmem:s30], [sflag:$0x6] =	stream.indirect_vreg.gather [hbm4b:s11+s4], $0x80, v2, vm0, $0xb8;
	[tilespmem:$0x10100] =	vst v63  }
0x52: {  	s9 =	simm.s32 $0x0  }
0x53: {  	[tilespmem:s31], [sflag:$0x6] =	stream.indirect_vreg.gather [hbm4b:s12+s4], $0x80, v2, vm0, $0xb8;
	v2 =	vimm.f32 $0.0e+00;
	[tilespmem:$0x10100] =	vst v63  }
.LBB2_2:
0x54: {  	_ =	swait.ge [sflag:s0], $0x2000  }
0x55: {  	[sflag:s0] =	ssyncset.done $0x0  }
0x56: {  	[sflag:s0] =	ssyncadd.s32 $0xFFFFE000  }
0x57: {  	_ =	swait.ge [sflag:s2], $0x2000  }
0x58: {  	s13 =	simm.s32 $0x0;
	[sflag:s2] =	ssyncset.done $0x0  }
0x59: {  	s14 =	simm.s32 $0x20C0;
	s6 =	simm.s32 $0xC0;
	[sflag:s2] =	ssyncadd.s32 $0xFFFFE000  }
.LBB2_3:
0x5a: {  	v4 =	vmov s6  }
0x5b: {  	v3 =	vmov s14;
	_ =	sdelay $0x2  }
0x5c: {  	s8 =	simm.s32 $0x0  }
0x5d: {  	v11 =	vld.idx.msk [tilespmem:v4+s8+$0x20 ss:$0x1], $0xffff  }
0x5e: {  	v12 =	vld.idx.msk [tilespmem:v3+s8+$0x20 ss:$0x1], $0xffff  }
0x5f: {  	v13 =	vld.idx.msk [tilespmem:v4+s8+$0x30 ss:$0x1], $0xffff  }
0x60: {  	v8 =	vld.idx.msk [tilespmem:v4+s8+$0x0 ss:$0x1], $0xffff  }
0x61: {  	v10 =	vld.idx.msk [tilespmem:v3+s8+$0x0 ss:$0x1], $0xffff  }
0x62: {  	v7 =	vld.idx.msk [tilespmem:v4+s8+$0xFFFFFFC0 ss:$0x1], $0xffff  }
0x63: {  	v9 =	vld.idx.msk [tilespmem:v3+s8+$0xFFFFFFC0 ss:$0x1], $0xffff  }
0x64: {  	v14 =	vld.idx.msk [tilespmem:v4+s8+$0xFFFFFFD0 ss:$0x1], $0xffff  }
0x65: {  	v15 =	vld.idx.msk [tilespmem:v3+s8+$0xFFFFFFD0 ss:$0x1], $0xffff  }
0x66: {  	v16 =	vld.idx.msk [tilespmem:v4+s8+$0xFFFFFFE0 ss:$0x1], $0xffff  }
0x67: {  	v17 =	vld.idx.msk [tilespmem:v3+s8+$0xFFFFFFE0 ss:$0x1], $0xffff  }
0x68: {  	v18 =	vld.idx.msk [tilespmem:v4+s8+$0xFFFFFFF0 ss:$0x1], $0xffff  }
0x69: {  	v19 =	vld.idx.msk [tilespmem:v3+s8+$0xFFFFFFF0 ss:$0x1], $0xffff  }
0x6a: {  	v20 =	vld.idx.msk [tilespmem:v4+s8+$0x10 ss:$0x1], $0xffff  }
0x6b: {  	v21 =	vld.idx.msk [tilespmem:v3+s8+$0x10 ss:$0x1], $0xffff  }
0x6c: {  	s18 =	simm.s32 $0x400;
	v22 =	vld.idx.msk [tilespmem:v3+s8+$0x30 ss:$0x1], $0xffff  }
0x6d: {  	v5 =	vld.idx.msk [tilespmem:v4+s18+$0x20 ss:$0x1], $0xffff  }
0x6e: {  	v6 =	vld.idx.msk [tilespmem:v3+s18+$0x20 ss:$0x1], $0xffff;
	v23 =	vsub.f32 v7, v9;
	v14 =	vsub.f32 v14, v15  }
0x6f: {  	v9 =	vld.idx.msk [tilespmem:v4+s18+$0x30 ss:$0x1], $0xffff;
	v15 =	vsub.f32 v16, v17;
	v16 =	vsub.f32 v18, v19  }
0x70: {  	v7 =	vld.idx.msk [tilespmem:v4+s18+$0x0 ss:$0x1], $0xffff;
	v18 =	vsub.f32 v8, v10;
	v17 =	vmul.f32 v23, v23;
	v14 =	vmul.f32 v14, v14  }
0x71: {  	v8 =	vld.idx.msk [tilespmem:v3+s18+$0x0 ss:$0x1], $0xffff;
	v19 =	vsub.f32 v20, v21;
	v15 =	vmul.f32 v15, v15;
	v16 =	vmul.f32 v16, v16  }
0x72: {  	v10 =	vld.idx.msk [tilespmem:v4+s18+$0xFFFFFFC0 ss:$0x1], $0xffff;
	v20 =	vsub.f32 v11, v12;
	v63 =	vsub.f32 v13, v22;
	v18 =	vmul.f32 v18, v18  }
0x73: {  	v11 =	vld.idx.msk [tilespmem:v3+s18+$0xFFFFFFC0 ss:$0x1], $0xffff;
	v15 =	vadd.f32 v15, v17;
	v14 =	vadd.f32 v16, v14;
	v16 =	vmul.f32 v19, v19  }
0x74: {  	v12 =	vld.idx.msk [tilespmem:v4+s18+$0xFFFFFFD0 ss:$0x1], $0xffff;
	v17 =	vmul.f32 v20, v20  }
0x75: {  	v13 =	vld.idx.msk [tilespmem:v3+s18+$0xFFFFFFD0 ss:$0x1], $0xffff;
	v20 =	vmul.f32 v63, v63;
	v18 =	vadd.f32 v18, v15;
	v19 =	vadd.f32 v16, v14  }
0x76: {  	v14 =	vld.idx.msk [tilespmem:v4+s18+$0xFFFFFFE0 ss:$0x1], $0xffff  }
0x77: {  	v15 =	vld.idx.msk [tilespmem:v3+s18+$0xFFFFFFE0 ss:$0x1], $0xffff;
	v16 =	vadd.f32 v17, v18;
	v17 =	vadd.f32 v20, v19  }
0x78: {  	s8 =	simm.s32 $0x2000;
	v18 =	vld.idx.msk [tilespmem:v4+s18+$0xFFFFFFF0 ss:$0x1], $0xffff  }
.LBB2_4:
0x79: {  	p0 =	sne.s32 s8, $0x7000;
	v19 =	vld.idx.msk [tilespmem:v3+s18+$0xFFFFFFF0 ss:$0x1], $0xffff;
	v16 =	vadd.f32 v17, v16  }
0x7a: {  	v17 =	vld.idx.msk [tilespmem:v4+s18+$0x10 ss:$0x1], $0xffff  }
0x7b: {  	v20 =	vld.idx.msk [tilespmem:v3+s18+$0x10 ss:$0x1], $0xffff;
	v2 =	vadd.f32 v16, v2  }
0x7c: {  	v16 =	vld.idx.msk [tilespmem:v3+s18+$0x30 ss:$0x1], $0xffff;
	s18 =	sshra.s32 s8, $0x2  }
0x7d: {  	v21 =	vld.idx.msk [tilespmem:v4+s18+$0x20 ss:$0x1], $0xffff  }
0x7e: {  	v10 =	vsub.f32 v10, v11;
	v11 =	vsub.f32 v12, v13;
	v22 =	vld.idx.msk [tilespmem:v3+s18+$0x20 ss:$0x1], $0xffff  }
0x7f: {  	v12 =	vsub.f32 v14, v15;
	v13 =	vsub.f32 v18, v19;
	v23 =	vld.idx.msk [tilespmem:v4+s18+$0x30 ss:$0x1], $0xffff  }
0x80: {  	v14 =	vmul.f32 v10, v10;
	v15 =	vmul.f32 v11, v11;
	v11 =	vsub.f32 v7, v8;
	v7 =	vld.idx.msk [tilespmem:v4+s18+$0x0 ss:$0x1], $0xffff  }
0x81: {  	v12 =	vmul.f32 v12, v12;
	v13 =	vmul.f32 v13, v13;
	v17 =	vsub.f32 v17, v20;
	v8 =	vld.idx.msk [tilespmem:v3+s18+$0x0 ss:$0x1], $0xffff  }
0x82: {  	v18 =	vmul.f32 v11, v11;
	v19 =	vsub.f32 v5, v6;
	v9 =	vsub.f32 v9, v16;
	v10 =	vld.idx.msk [tilespmem:v4+s18+$0xFFFFFFC0 ss:$0x1], $0xffff  }
0x83: {  	v14 =	vadd.f32 v12, v14;
	v15 =	vadd.f32 v13, v15;
	v16 =	vmul.f32 v17, v17;
	v11 =	vld.idx.msk [tilespmem:v3+s18+$0xFFFFFFC0 ss:$0x1], $0xffff  }
.Ltmp2:
0x84: {  	v17 =	vmul.f32 v19, v19;
	v5 =	vmov v21;
	v6 =	vmov v22;
	v12 =	vld.idx.msk [tilespmem:v4+s18+$0xFFFFFFD0 ss:$0x1], $0xffff;
	(pc) =	sbr.rel @p0 .LBB2_4-.Ltmp2, $4  }
0x85: {  	v18 =	vadd.f32 v18, v14;
	v20 =	vmul.f32 v9, v9;
	v19 =	vadd.f32 v16, v15;
	v13 =	vld.idx.msk [tilespmem:v3+s18+$0xFFFFFFD0 ss:$0x1], $0xffff  }
0x86: {  	v9 =	vmov v23;
	v14 =	vld.idx.msk [tilespmem:v4+s18+$0xFFFFFFE0 ss:$0x1], $0xffff  }
0x87: {  	v16 =	vadd.f32 v17, v18;
	v17 =	vadd.f32 v20, v19;
	v15 =	vld.idx.msk [tilespmem:v3+s18+$0xFFFFFFE0 ss:$0x1], $0xffff  }
0x88: {  	s8 =	sadd.s32 $0x1000, s8;
	v18 =	vld.idx.msk [tilespmem:v4+s18+$0xFFFFFFF0 ss:$0x1], $0xffff  }
0x89: {  	_ =	sdelay $0x3  }
0x8a: {  	v19 =	vld.idx.msk [tilespmem:v3+s18+$0xFFFFFFF0 ss:$0x1], $0xffff  }
0x8b: {  	v4 =	vld.idx.msk [tilespmem:v4+s18+$0x10 ss:$0x1], $0xffff  }
0x8c: {  	v20 =	vld.idx.msk [tilespmem:v3+s18+$0x10 ss:$0x1], $0xffff  }
0x8d: {  	v3 =	vld.idx.msk [tilespmem:v3+s18+$0x30 ss:$0x1], $0xffff  }
0x8e: {  	v10 =	vsub.f32 v10, v11;
	v56 =	vsub.f32 v12, v13  }
0x8f: {  	v57 =	vsub.f32 v14, v15;
	v58 =	vsub.f32 v18, v19  }
0x90: {  	v7 =	vsub.f32 v7, v8;
	v10 =	vmul.f32 v10, v10;
	v11 =	vmul.f32 v56, v56  }
0x91: {  	v59 =	vmul.f32 v57, v57;
	v4 =	vsub.f32 v4, v20;
	v60 =	vmul.f32 v58, v58  }
0x92: {  	v5 =	vsub.f32 v5, v6;
	v7 =	vmul.f32 v7, v7;
	v3 =	vsub.f32 v9, v3  }
0x93: {  	v61 =	vadd.f32 v59, v10;
	v4 =	vmul.f32 v4, v4;
	v62 =	vadd.f32 v60, v11  }
0x94: {  	v5 =	vmul.f32 v5, v5  }
0x95: {  	s13 =	sadd.s32 $0x1, s13;
	v3 =	vmul.f32 v3, v3;
	v6 =	vadd.f32 v7, v61;
	v4 =	vadd.f32 v4, v62  }
0x96: {  	v63 =	vadd.f32 v17, v16;
	p0 =	sne.s32 s13, $0x8  }
.Ltmp3:
0x97: {  	v5 =	vadd.f32 v5, v6;
	v3 =	vadd.f32 v3, v4;
	(pc) =	sbr.rel @p0 .LBB2_3-.Ltmp3, $3  }
0x98: {  	_ = 	snop  }
0x99: {  	v2 =	vadd.f32 v63, v2;
	v3 =	vadd.f32 v3, v5;
	_ =	sdelay $0x1  }
0x9a: {  	s14 =	sadd.s32 $0x80, s14;
	s6 =	sadd.s32 $0x80, s6;
	v2 =	vadd.f32 v3, v2  }
0x9b: {  	s13 =	sshll.u32 s9, $0x5  }
0x9c: {  	s6 =	sor.u32 $0x18, s13  }
0x9d: {  	s8 =	sadd.s32 s5, s6  }
0x9e: {  	s8 =	sshll.u32 s8, $0x7  }
0x9f: {  	s14 =	simm.s32 $0x0;
	s8 =	sadd.s32 s1, s8  }
0xa0: {  	[tilespmem:s15], [sflag:$0x7] =	stream.linear.gather [hbm4b:s8+s14], $0x2000, $0x38;
	[tilespmem:$0x10100] =	vst v63  }
0xa1: {  	v3 =	vld.msk [tilespmem:s6+$0x0], $0xff;
	_ =	sdelay $0x4  }
0xa2: {  	v4 =	vshll.u32 v3, $0x3  }
0xa3: {  	v3 =	vand.u32 $0x7, v3;
	v4 =	vand.u32 $0xFFFFFFC0, v4  }
0xa4: {  	v3 =	vor.u32 v3, v4  }
0xa5: {  	v3 =	vperm.xlane v3, v0;
	_ =	sdelay $0x1  }
0xa6: {  	v3 =	vadd.s32 v1, v3;
	_ =	sdelay $0x4  }
0xa7: {  	[tilespmem:s16], [sflag:$0x8] =	stream.indirect_vreg.gather [hbm4b:s3+s14], $0x80, v3, vm0, $0xb8;
	[tilespmem:$0x10100] =	vst v63  }
0xa8: {  	_ = 	snop  }
0xa9: {  	[tilespmem:s19], [sflag:$0x8] =	stream.indirect_vreg.gather [hbm4b:s10+s14], $0x80, v3, vm0, $0xb8;
	[tilespmem:$0x10100] =	vst v63  }
0xaa: {  	_ = 	snop  }
0xab: {  	[tilespmem:s20], [sflag:$0x8] =	stream.indirect_vreg.gather [hbm4b:s11+s14], $0x80, v3, vm0, $0xb8;
	[tilespmem:$0x10100] =	vst v63  }
0xac: {  	_ = 	snop  }
0xad: {  	[tilespmem:s21], [sflag:$0x8] =	stream.indirect_vreg.gather [hbm4b:s12+s14], $0x80, v3, vm0, $0xb8;
	[tilespmem:$0x10100] =	vst v63  }
0xae: {  	_ =	swait.ge [sflag:s22], $0x2000  }
0xaf: {  	[sflag:s22] =	ssyncset.done $0x0  }
0xb0: {  	[sflag:s22] =	ssyncadd.s32 $0xFFFFE000  }
0xb1: {  	_ =	swait.ge [sflag:s23], $0x2000  }
0xb2: {  	[sflag:s23] =	ssyncset.done $0x0  }
0xb3: {  	s18 =	simm.s32 $0x40C0;
	s6 =	simm.s32 $0x60C0;
	[sflag:s23] =	ssyncadd.s32 $0xFFFFE000  }
.LBB2_7:
0xb4: {  	v4 =	vmov s18  }
0xb5: {  	v3 =	vmov s6;
	_ =	sdelay $0x2  }
0xb6: {  	s17 =	simm.s32 $0x0  }
0xb7: {  	v11 =	vld.idx.msk [tilespmem:v4+s17+$0x20 ss:$0x1], $0xffff  }
0xb8: {  	v12 =	vld.idx.msk [tilespmem:v3+s17+$0x20 ss:$0x1], $0xffff  }
0xb9: {  	v13 =	vld.idx.msk [tilespmem:v4+s17+$0x30 ss:$0x1], $0xffff  }
0xba: {  	v8 =	vld.idx.msk [tilespmem:v4+s17+$0x0 ss:$0x1], $0xffff  }
0xbb: {  	v10 =	vld.idx.msk [tilespmem:v3+s17+$0x0 ss:$0x1], $0xffff  }
0xbc: {  	v7 =	vld.idx.msk [tilespmem:v4+s17+$0xFFFFFFC0 ss:$0x1], $0xffff  }
0xbd: {  	v9 =	vld.idx.msk [tilespmem:v3+s17+$0xFFFFFFC0 ss:$0x1], $0xffff  }
0xbe: {  	v14 =	vld.idx.msk [tilespmem:v4+s17+$0xFFFFFFD0 ss:$0x1], $0xffff  }
0xbf: {  	v15 =	vld.idx.msk [tilespmem:v3+s17+$0xFFFFFFD0 ss:$0x1], $0xffff  }
0xc0: {  	v16 =	vld.idx.msk [tilespmem:v4+s17+$0xFFFFFFE0 ss:$0x1], $0xffff  }
0xc1: {  	v17 =	vld.idx.msk [tilespmem:v3+s17+$0xFFFFFFE0 ss:$0x1], $0xffff  }
0xc2: {  	v18 =	vld.idx.msk [tilespmem:v4+s17+$0xFFFFFFF0 ss:$0x1], $0xffff  }
0xc3: {  	v19 =	vld.idx.msk [tilespmem:v3+s17+$0xFFFFFFF0 ss:$0x1], $0xffff  }
0xc4: {  	v20 =	vld.idx.msk [tilespmem:v4+s17+$0x10 ss:$0x1], $0xffff  }
0xc5: {  	v21 =	vld.idx.msk [tilespmem:v3+s17+$0x10 ss:$0x1], $0xffff  }
0xc6: {  	s8 =	simm.s32 $0x400;
	v22 =	vld.idx.msk [tilespmem:v3+s17+$0x30 ss:$0x1], $0xffff  }
0xc7: {  	v5 =	vld.idx.msk [tilespmem:v4+s8+$0x20 ss:$0x1], $0xffff  }
0xc8: {  	v6 =	vld.idx.msk [tilespmem:v3+s8+$0x20 ss:$0x1], $0xffff;
	v23 =	vsub.f32 v7, v9;
	v14 =	vsub.f32 v14, v15  }
0xc9: {  	v9 =	vld.idx.msk [tilespmem:v4+s8+$0x30 ss:$0x1], $0xffff;
	v15 =	vsub.f32 v16, v17;
	v16 =	vsub.f32 v18, v19  }
0xca: {  	v7 =	vld.idx.msk [tilespmem:v4+s8+$0x0 ss:$0x1], $0xffff;
	v18 =	vsub.f32 v8, v10;
	v17 =	vmul.f32 v23, v23;
	v14 =	vmul.f32 v14, v14  }
0xcb: {  	v8 =	vld.idx.msk [tilespmem:v3+s8+$0x0 ss:$0x1], $0xffff;
	v19 =	vsub.f32 v20, v21;
	v15 =	vmul.f32 v15, v15;
	v16 =	vmul.f32 v16, v16  }
0xcc: {  	v10 =	vld.idx.msk [tilespmem:v4+s8+$0xFFFFFFC0 ss:$0x1], $0xffff;
	v20 =	vsub.f32 v11, v12;
	v63 =	vsub.f32 v13, v22;
	v18 =	vmul.f32 v18, v18  }
0xcd: {  	v11 =	vld.idx.msk [tilespmem:v3+s8+$0xFFFFFFC0 ss:$0x1], $0xffff;
	v15 =	vadd.f32 v15, v17;
	v14 =	vadd.f32 v16, v14;
	v16 =	vmul.f32 v19, v19  }
0xce: {  	v12 =	vld.idx.msk [tilespmem:v4+s8+$0xFFFFFFD0 ss:$0x1], $0xffff;
	v17 =	vmul.f32 v20, v20  }
0xcf: {  	v13 =	vld.idx.msk [tilespmem:v3+s8+$0xFFFFFFD0 ss:$0x1], $0xffff;
	v20 =	vmul.f32 v63, v63;
	v18 =	vadd.f32 v18, v15;
	v19 =	vadd.f32 v16, v14  }
0xd0: {  	v14 =	vld.idx.msk [tilespmem:v4+s8+$0xFFFFFFE0 ss:$0x1], $0xffff  }
0xd1: {  	v15 =	vld.idx.msk [tilespmem:v3+s8+$0xFFFFFFE0 ss:$0x1], $0xffff;
	v16 =	vadd.f32 v17, v18;
	v17 =	vadd.f32 v20, v19  }
0xd2: {  	s17 =	simm.s32 $0x2000;
	v18 =	vld.idx.msk [tilespmem:v4+s8+$0xFFFFFFF0 ss:$0x1], $0xffff  }
.LBB2_8:
0xd3: {  	p0 =	sne.s32 s17, $0x7000;
	v19 =	vld.idx.msk [tilespmem:v3+s8+$0xFFFFFFF0 ss:$0x1], $0xffff;
	v16 =	vadd.f32 v17, v16  }
0xd4: {  	v17 =	vld.idx.msk [tilespmem:v4+s8+$0x10 ss:$0x1], $0xffff  }
0xd5: {  	v20 =	vld.idx.msk [tilespmem:v3+s8+$0x10 ss:$0x1], $0xffff;
	v2 =	vadd.f32 v16, v2  }
0xd6: {  	v16 =	vld.idx.msk [tilespmem:v3+s8+$0x30 ss:$0x1], $0xffff;
	s8 =	sshra.s32 s17, $0x2  }
0xd7: {  	v21 =	vld.idx.msk [tilespmem:v4+s8+$0x20 ss:$0x1], $0xffff  }
0xd8: {  	v10 =	vsub.f32 v10, v11;
	v11 =	vsub.f32 v12, v13;
	v22 =	vld.idx.msk [tilespmem:v3+s8+$0x20 ss:$0x1], $0xffff  }
0xd9: {  	v12 =	vsub.f32 v14, v15;
	v13 =	vsub.f32 v18, v19;
	v23 =	vld.idx.msk [tilespmem:v4+s8+$0x30 ss:$0x1], $0xffff  }
0xda: {  	v14 =	vmul.f32 v10, v10;
	v15 =	vmul.f32 v11, v11;
	v11 =	vsub.f32 v7, v8;
	v7 =	vld.idx.msk [tilespmem:v4+s8+$0x0 ss:$0x1], $0xffff  }
0xdb: {  	v12 =	vmul.f32 v12, v12;
	v13 =	vmul.f32 v13, v13;
	v17 =	vsub.f32 v17, v20;
	v8 =	vld.idx.msk [tilespmem:v3+s8+$0x0 ss:$0x1], $0xffff  }
0xdc: {  	v18 =	vmul.f32 v11, v11;
	v19 =	vsub.f32 v5, v6;
	v9 =	vsub.f32 v9, v16;
	v10 =	vld.idx.msk [tilespmem:v4+s8+$0xFFFFFFC0 ss:$0x1], $0xffff  }
0xdd: {  	v14 =	vadd.f32 v12, v14;
	v15 =	vadd.f32 v13, v15;
	v16 =	vmul.f32 v17, v17;
	v11 =	vld.idx.msk [tilespmem:v3+s8+$0xFFFFFFC0 ss:$0x1], $0xffff  }
.Ltmp4:
0xde: {  	v17 =	vmul.f32 v19, v19;
	v5 =	vmov v21;
	v6 =	vmov v22;
	v12 =	vld.idx.msk [tilespmem:v4+s8+$0xFFFFFFD0 ss:$0x1], $0xffff;
	(pc) =	sbr.rel @p0 .LBB2_8-.Ltmp4, $4  }
0xdf: {  	v18 =	vadd.f32 v18, v14;
	v20 =	vmul.f32 v9, v9;
	v19 =	vadd.f32 v16, v15;
	v13 =	vld.idx.msk [tilespmem:v3+s8+$0xFFFFFFD0 ss:$0x1], $0xffff  }
0xe0: {  	v9 =	vmov v23;
	v14 =	vld.idx.msk [tilespmem:v4+s8+$0xFFFFFFE0 ss:$0x1], $0xffff  }
0xe1: {  	v16 =	vadd.f32 v17, v18;
	v17 =	vadd.f32 v20, v19;
	v15 =	vld.idx.msk [tilespmem:v3+s8+$0xFFFFFFE0 ss:$0x1], $0xffff  }
0xe2: {  	s17 =	sadd.s32 $0x1000, s17;
	v18 =	vld.idx.msk [tilespmem:v4+s8+$0xFFFFFFF0 ss:$0x1], $0xffff  }
0xe3: {  	_ =	sdelay $0x3  }
0xe4: {  	v19 =	vld.idx.msk [tilespmem:v3+s8+$0xFFFFFFF0 ss:$0x1], $0xffff  }
0xe5: {  	v4 =	vld.idx.msk [tilespmem:v4+s8+$0x10 ss:$0x1], $0xffff  }
0xe6: {  	v20 =	vld.idx.msk [tilespmem:v3+s8+$0x10 ss:$0x1], $0xffff  }
0xe7: {  	v3 =	vld.idx.msk [tilespmem:v3+s8+$0x30 ss:$0x1], $0xffff  }
0xe8: {  	v10 =	vsub.f32 v10, v11;
	v56 =	vsub.f32 v12, v13  }
0xe9: {  	v57 =	vsub.f32 v14, v15;
	v58 =	vsub.f32 v18, v19  }
0xea: {  	v7 =	vsub.f32 v7, v8;
	v10 =	vmul.f32 v10, v10;
	v11 =	vmul.f32 v56, v56  }
0xeb: {  	v59 =	vmul.f32 v57, v57;
	v4 =	vsub.f32 v4, v20;
	v60 =	vmul.f32 v58, v58  }
0xec: {  	v5 =	vsub.f32 v5, v6;
	v7 =	vmul.f32 v7, v7;
	v3 =	vsub.f32 v9, v3  }
0xed: {  	v61 =	vadd.f32 v59, v10;
	v4 =	vmul.f32 v4, v4;
	v62 =	vadd.f32 v60, v11  }
0xee: {  	v5 =	vmul.f32 v5, v5  }
0xef: {  	s14 =	sadd.s32 $0x1, s14;
	v3 =	vmul.f32 v3, v3;
	v6 =	vadd.f32 v7, v61;
	v4 =	vadd.f32 v4, v62  }
0xf0: {  	v63 =	vadd.f32 v17, v16;
	p0 =	sne.s32 s14, $0x8  }
.Ltmp5:
0xf1: {  	v5 =	vadd.f32 v5, v6;
	v3 =	vadd.f32 v3, v4;
	(pc) =	sbr.rel @p0 .LBB2_7-.Ltmp5, $3  }
0xf2: {  	_ = 	snop  }
0xf3: {  	v2 =	vadd.f32 v63, v2;
	v3 =	vadd.f32 v3, v5;
	_ =	sdelay $0x1  }
0xf4: {  	s6 =	sadd.s32 $0x80, s6;
	s18 =	sadd.s32 $0x80, s18;
	v2 =	vadd.f32 v3, v2  }
0xf5: {  	p0 =	seq.s32 s9, $0x3  }
0xf6: {  	s6 =	sadd.s32 @!p0 $0x20, s13  }
0xf7: {  	s6 =	sadd.s32 @!p0 s5, s6  }
0xf8: {  	s6 =	sshll.u32 @!p0 s6, $0x7  }
0xf9: {  	s8 =	simm.s32 @!p0 $0x0;
	s14 =	simm.s32 @!p0 $0x80;
	s6 =	sadd.s32 @!p0 s1, s6  }
0xfa: {  	[tilespmem:s14], [sflag:$0x1] =	stream.linear.gather @!p0 [hbm4b:s6+s8], $0x2000, $0x38;
	[tilespmem:$0x10100] =	vst v63  }
0xfb: {  	v3 =	vld.msk @!p0 [tilespmem:s13+$0x20], $0xff;
	_ =	sdelay $0x4  }
0xfc: {  	v4 =	vshll.u32 @!p0 v3, $0x3  }
0xfd: {  	v5 =	vlaneseq.u32 @!p0;
	v3 =	vand.u32 @!p0 $0x7, v3;
	v4 =	vand.u32 @!p0 $0xFFFFFFC0, v4  }
0xfe: {  	v3 =	vor.u32 @!p0 v3, v4;
	v4 =	vand.u32 @!p0 $0x7, v5;
	v5 =	vshrl.u32 @!p0 v5, $0x3  }
0xff: {  	v3 =	vperm.xlane @!p0 v3, v4;
	v4 =	vmul.u32 @!p0 $0x8, v5;
	_ =	sdelay $0x1  }
0x100: {  	v3 =	vadd.s32 @!p0 v4, v3;
	_ =	sdelay $0x3  }
0x101: {  	vm1 =	vmmov @!p0 $0xffff;
	s6 =	simm.s32 @!p0 $0x2080  }
0x102: {  	[tilespmem:s6], [sflag:$0x2] =	stream.indirect_vreg.gather @!p0 [hbm4b:s3+s8], $0x80, v3, vm1, $0xb8;
	[tilespmem:$0x10100] =	vst v63  }
0x103: {  	s6 =	simm.s32 @!p0 $0x2880  }
0x104: {  	[tilespmem:s6], [sflag:$0x2] =	stream.indirect_vreg.gather @!p0 [hbm4b:s10+s8], $0x80, v3, vm1, $0xb8;
	[tilespmem:$0x10100] =	vst v63  }
0x105: {  	s6 =	simm.s32 @!p0 $0x3080  }
0x106: {  	[tilespmem:s6], [sflag:$0x2] =	stream.indirect_vreg.gather @!p0 [hbm4b:s11+s8], $0x80, v3, vm1, $0xb8;
	[tilespmem:$0x10100] =	vst v63  }
0x107: {  	s6 =	simm.s32 @!p0 $0x3880  }
0x108: {  	[tilespmem:s6], [sflag:$0x2] =	stream.indirect_vreg.gather @!p0 [hbm4b:s12+s8], $0x80, v3, vm1, $0xb8;
	[tilespmem:$0x10100] =	vst v63  }
0x109: {  	_ =	swait.ge [sflag:s24], $0x2000  }
0x10a: {  	[sflag:s24] =	ssyncset.done $0x0  }
0x10b: {  	[sflag:s24] =	ssyncadd.s32 $0xFFFFE000  }
0x10c: {  	_ =	swait.ge [sflag:s25], $0x2000  }
0x10d: {  	s18 =	simm.s32 $0x80C0;
	[sflag:s25] =	ssyncset.done $0x0  }
0x10e: {  	s14 =	simm.s32 $0x0;
	s6 =	simm.s32 $0xA0C0;
	[sflag:s25] =	ssyncadd.s32 $0xFFFFE000  }
.LBB2_11:
0x10f: {  	v4 =	vmov s18  }
0x110: {  	v3 =	vmov s6;
	_ =	sdelay $0x2  }
0x111: {  	s17 =	simm.s32 $0x0  }
0x112: {  	v11 =	vld.idx.msk [tilespmem:v4+s17+$0x20 ss:$0x1], $0xffff  }
0x113: {  	v12 =	vld.idx.msk [tilespmem:v3+s17+$0x20 ss:$0x1], $0xffff  }
0x114: {  	v13 =	vld.idx.msk [tilespmem:v4+s17+$0x30 ss:$0x1], $0xffff  }
0x115: {  	v8 =	vld.idx.msk [tilespmem:v4+s17+$0x0 ss:$0x1], $0xffff  }
0x116: {  	v10 =	vld.idx.msk [tilespmem:v3+s17+$0x0 ss:$0x1], $0xffff  }
0x117: {  	v7 =	vld.idx.msk [tilespmem:v4+s17+$0xFFFFFFC0 ss:$0x1], $0xffff  }
0x118: {  	v9 =	vld.idx.msk [tilespmem:v3+s17+$0xFFFFFFC0 ss:$0x1], $0xffff  }
0x119: {  	v14 =	vld.idx.msk [tilespmem:v4+s17+$0xFFFFFFD0 ss:$0x1], $0xffff  }
0x11a: {  	v15 =	vld.idx.msk [tilespmem:v3+s17+$0xFFFFFFD0 ss:$0x1], $0xffff  }
0x11b: {  	v16 =	vld.idx.msk [tilespmem:v4+s17+$0xFFFFFFE0 ss:$0x1], $0xffff  }
0x11c: {  	v17 =	vld.idx.msk [tilespmem:v3+s17+$0xFFFFFFE0 ss:$0x1], $0xffff  }
0x11d: {  	v18 =	vld.idx.msk [tilespmem:v4+s17+$0xFFFFFFF0 ss:$0x1], $0xffff  }
0x11e: {  	v19 =	vld.idx.msk [tilespmem:v3+s17+$0xFFFFFFF0 ss:$0x1], $0xffff  }
0x11f: {  	v20 =	vld.idx.msk [tilespmem:v4+s17+$0x10 ss:$0x1], $0xffff  }
0x120: {  	v21 =	vld.idx.msk [tilespmem:v3+s17+$0x10 ss:$0x1], $0xffff  }
0x121: {  	s8 =	simm.s32 $0x400;
	v22 =	vld.idx.msk [tilespmem:v3+s17+$0x30 ss:$0x1], $0xffff  }
0x122: {  	v5 =	vld.idx.msk [tilespmem:v4+s8+$0x20 ss:$0x1], $0xffff  }
0x123: {  	v6 =	vld.idx.msk [tilespmem:v3+s8+$0x20 ss:$0x1], $0xffff;
	v23 =	vsub.f32 v7, v9;
	v14 =	vsub.f32 v14, v15  }
0x124: {  	v9 =	vld.idx.msk [tilespmem:v4+s8+$0x30 ss:$0x1], $0xffff;
	v15 =	vsub.f32 v16, v17;
	v16 =	vsub.f32 v18, v19  }
0x125: {  	v7 =	vld.idx.msk [tilespmem:v4+s8+$0x0 ss:$0x1], $0xffff;
	v18 =	vsub.f32 v8, v10;
	v17 =	vmul.f32 v23, v23;
	v14 =	vmul.f32 v14, v14  }
0x126: {  	v8 =	vld.idx.msk [tilespmem:v3+s8+$0x0 ss:$0x1], $0xffff;
	v19 =	vsub.f32 v20, v21;
	v15 =	vmul.f32 v15, v15;
	v16 =	vmul.f32 v16, v16  }
0x127: {  	v10 =	vld.idx.msk [tilespmem:v4+s8+$0xFFFFFFC0 ss:$0x1], $0xffff;
	v20 =	vsub.f32 v11, v12;
	v63 =	vsub.f32 v13, v22;
	v18 =	vmul.f32 v18, v18  }
0x128: {  	v11 =	vld.idx.msk [tilespmem:v3+s8+$0xFFFFFFC0 ss:$0x1], $0xffff;
	v15 =	vadd.f32 v15, v17;
	v14 =	vadd.f32 v16, v14;
	v16 =	vmul.f32 v19, v19  }
0x129: {  	v12 =	vld.idx.msk [tilespmem:v4+s8+$0xFFFFFFD0 ss:$0x1], $0xffff;
	v17 =	vmul.f32 v20, v20  }
0x12a: {  	v13 =	vld.idx.msk [tilespmem:v3+s8+$0xFFFFFFD0 ss:$0x1], $0xffff;
	v20 =	vmul.f32 v63, v63;
	v18 =	vadd.f32 v18, v15;
	v19 =	vadd.f32 v16, v14  }
0x12b: {  	v14 =	vld.idx.msk [tilespmem:v4+s8+$0xFFFFFFE0 ss:$0x1], $0xffff  }
0x12c: {  	v15 =	vld.idx.msk [tilespmem:v3+s8+$0xFFFFFFE0 ss:$0x1], $0xffff;
	v16 =	vadd.f32 v17, v18;
	v17 =	vadd.f32 v20, v19  }
0x12d: {  	s17 =	simm.s32 $0x2000;
	v18 =	vld.idx.msk [tilespmem:v4+s8+$0xFFFFFFF0 ss:$0x1], $0xffff  }
.LBB2_12:
0x12e: {  	p1 =	sne.s32 s17, $0x7000;
	v19 =	vld.idx.msk [tilespmem:v3+s8+$0xFFFFFFF0 ss:$0x1], $0xffff;
	v16 =	vadd.f32 v17, v16  }
0x12f: {  	v17 =	vld.idx.msk [tilespmem:v4+s8+$0x10 ss:$0x1], $0xffff  }
0x130: {  	v20 =	vld.idx.msk [tilespmem:v3+s8+$0x10 ss:$0x1], $0xffff;
	v2 =	vadd.f32 v16, v2  }
0x131: {  	v16 =	vld.idx.msk [tilespmem:v3+s8+$0x30 ss:$0x1], $0xffff;
	s8 =	sshra.s32 s17, $0x2  }
0x132: {  	v21 =	vld.idx.msk [tilespmem:v4+s8+$0x20 ss:$0x1], $0xffff  }
0x133: {  	v10 =	vsub.f32 v10, v11;
	v11 =	vsub.f32 v12, v13;
	v22 =	vld.idx.msk [tilespmem:v3+s8+$0x20 ss:$0x1], $0xffff  }
0x134: {  	v12 =	vsub.f32 v14, v15;
	v13 =	vsub.f32 v18, v19;
	v23 =	vld.idx.msk [tilespmem:v4+s8+$0x30 ss:$0x1], $0xffff  }
0x135: {  	v14 =	vmul.f32 v10, v10;
	v15 =	vmul.f32 v11, v11;
	v11 =	vsub.f32 v7, v8;
	v7 =	vld.idx.msk [tilespmem:v4+s8+$0x0 ss:$0x1], $0xffff  }
0x136: {  	v12 =	vmul.f32 v12, v12;
	v13 =	vmul.f32 v13, v13;
	v17 =	vsub.f32 v17, v20;
	v8 =	vld.idx.msk [tilespmem:v3+s8+$0x0 ss:$0x1], $0xffff  }
0x137: {  	v18 =	vmul.f32 v11, v11;
	v19 =	vsub.f32 v5, v6;
	v9 =	vsub.f32 v9, v16;
	v10 =	vld.idx.msk [tilespmem:v4+s8+$0xFFFFFFC0 ss:$0x1], $0xffff  }
0x138: {  	v14 =	vadd.f32 v12, v14;
	v15 =	vadd.f32 v13, v15;
	v16 =	vmul.f32 v17, v17;
	v11 =	vld.idx.msk [tilespmem:v3+s8+$0xFFFFFFC0 ss:$0x1], $0xffff  }
.Ltmp6:
0x139: {  	v17 =	vmul.f32 v19, v19;
	v5 =	vmov v21;
	v6 =	vmov v22;
	v12 =	vld.idx.msk [tilespmem:v4+s8+$0xFFFFFFD0 ss:$0x1], $0xffff;
	(pc) =	sbr.rel @p1 .LBB2_12-.Ltmp6, $4  }
0x13a: {  	v18 =	vadd.f32 v18, v14;
	v20 =	vmul.f32 v9, v9;
	v19 =	vadd.f32 v16, v15;
	v13 =	vld.idx.msk [tilespmem:v3+s8+$0xFFFFFFD0 ss:$0x1], $0xffff  }
0x13b: {  	v9 =	vmov v23;
	v14 =	vld.idx.msk [tilespmem:v4+s8+$0xFFFFFFE0 ss:$0x1], $0xffff  }
0x13c: {  	v16 =	vadd.f32 v17, v18;
	v17 =	vadd.f32 v20, v19;
	v15 =	vld.idx.msk [tilespmem:v3+s8+$0xFFFFFFE0 ss:$0x1], $0xffff  }
0x13d: {  	s17 =	sadd.s32 $0x1000, s17;
	v18 =	vld.idx.msk [tilespmem:v4+s8+$0xFFFFFFF0 ss:$0x1], $0xffff  }
0x13e: {  	_ =	sdelay $0x3  }
0x13f: {  	v19 =	vld.idx.msk [tilespmem:v3+s8+$0xFFFFFFF0 ss:$0x1], $0xffff  }
0x140: {  	v4 =	vld.idx.msk [tilespmem:v4+s8+$0x10 ss:$0x1], $0xffff  }
0x141: {  	v20 =	vld.idx.msk [tilespmem:v3+s8+$0x10 ss:$0x1], $0xffff  }
0x142: {  	v3 =	vld.idx.msk [tilespmem:v3+s8+$0x30 ss:$0x1], $0xffff  }
0x143: {  	v10 =	vsub.f32 v10, v11;
	v56 =	vsub.f32 v12, v13  }
0x144: {  	v57 =	vsub.f32 v14, v15;
	v58 =	vsub.f32 v18, v19  }
0x145: {  	v7 =	vsub.f32 v7, v8;
	v10 =	vmul.f32 v10, v10;
	v11 =	vmul.f32 v56, v56  }
0x146: {  	v59 =	vmul.f32 v57, v57;
	v4 =	vsub.f32 v4, v20;
	v60 =	vmul.f32 v58, v58  }
0x147: {  	v5 =	vsub.f32 v5, v6;
	v7 =	vmul.f32 v7, v7;
	v3 =	vsub.f32 v9, v3  }
0x148: {  	v61 =	vadd.f32 v59, v10;
	v4 =	vmul.f32 v4, v4;
	v62 =	vadd.f32 v60, v11  }
0x149: {  	v5 =	vmul.f32 v5, v5  }
0x14a: {  	s14 =	sadd.s32 $0x1, s14;
	v3 =	vmul.f32 v3, v3;
	v6 =	vadd.f32 v7, v61;
	v4 =	vadd.f32 v4, v62  }
0x14b: {  	v63 =	vadd.f32 v17, v16;
	p1 =	sne.s32 s14, $0x8  }
.Ltmp7:
0x14c: {  	v5 =	vadd.f32 v5, v6;
	v3 =	vadd.f32 v3, v4;
	(pc) =	sbr.rel @p1 .LBB2_11-.Ltmp7, $3  }
0x14d: {  	_ = 	snop  }
0x14e: {  	v2 =	vadd.f32 v63, v2;
	v3 =	vadd.f32 v3, v5;
	_ =	sdelay $0x1  }
0x14f: {  	s6 =	sadd.s32 $0x80, s6;
	s18 =	sadd.s32 $0x80, s18;
	v2 =	vadd.f32 v3, v2  }
0x150: {  	s6 =	sadd.s32 @!p0 $0x28, s13  }
0x151: {  	s6 =	sadd.s32 @!p0 s5, s6  }
0x152: {  	s6 =	sshll.u32 @!p0 s6, $0x7  }
0x153: {  	s8 =	simm.s32 @!p0 $0x0;
	s14 =	simm.s32 @!p0 $0x4080;
	s6 =	sadd.s32 @!p0 s1, s6  }
0x154: {  	[tilespmem:s14], [sflag:$0x3] =	stream.linear.gather @!p0 [hbm4b:s6+s8], $0x2000, $0x38;
	[tilespmem:$0x10100] =	vst v63  }
0x155: {  	v3 =	vld.msk @!p0 [tilespmem:s13+$0x28], $0xff;
	_ =	sdelay $0x4  }
0x156: {  	v4 =	vshll.u32 @!p0 v3, $0x3  }
0x157: {  	v5 =	vlaneseq.u32 @!p0;
	v3 =	vand.u32 @!p0 $0x7, v3;
	v4 =	vand.u32 @!p0 $0xFFFFFFC0, v4  }
0x158: {  	v3 =	vor.u32 @!p0 v3, v4;
	v4 =	vand.u32 @!p0 $0x7, v5;
	v5 =	vshrl.u32 @!p0 v5, $0x3  }
0x159: {  	v3 =	vperm.xlane @!p0 v3, v4;
	v4 =	vmul.u32 @!p0 $0x8, v5;
	_ =	sdelay $0x1  }
0x15a: {  	v3 =	vadd.s32 @!p0 v4, v3;
	_ =	sdelay $0x3  }
0x15b: {  	s6 =	simm.s32 @!p0 $0x6080  }
0x15c: {  	[tilespmem:s6], [sflag:$0x4] =	stream.indirect_vreg.gather @!p0 [hbm4b:s3+s8], $0x80, v3, vm1, $0xb8;
	[tilespmem:$0x10100] =	vst v63  }
0x15d: {  	s6 =	simm.s32 @!p0 $0x6880  }
0x15e: {  	[tilespmem:s6], [sflag:$0x4] =	stream.indirect_vreg.gather @!p0 [hbm4b:s10+s8], $0x80, v3, vm1, $0xb8;
	[tilespmem:$0x10100] =	vst v63  }
0x15f: {  	s6 =	simm.s32 @!p0 $0x7080  }
0x160: {  	[tilespmem:s6], [sflag:$0x4] =	stream.indirect_vreg.gather @!p0 [hbm4b:s11+s8], $0x80, v3, vm1, $0xb8;
	[tilespmem:$0x10100] =	vst v63  }
0x161: {  	s6 =	simm.s32 @!p0 $0x7880  }
0x162: {  	[tilespmem:s6], [sflag:$0x4] =	stream.indirect_vreg.gather @!p0 [hbm4b:s12+s8], $0x80, v3, vm1, $0xb8;
	[tilespmem:$0x10100] =	vst v63  }
0x163: {  	_ =	swait.ge [sflag:s26], $0x2000  }
0x164: {  	[sflag:s26] =	ssyncset.done $0x0  }
0x165: {  	[sflag:s26] =	ssyncadd.s32 $0xFFFFE000  }
0x166: {  	_ =	swait.ge [sflag:s7], $0x2000  }
0x167: {  	s18 =	simm.s32 $0xC0C0;
	[sflag:s7] =	ssyncset.done $0x0  }
0x168: {  	s14 =	simm.s32 $0x0;
	s6 =	simm.s32 $0xE0C0;
	[sflag:s7] =	ssyncadd.s32 $0xFFFFE000  }
.LBB2_15:
0x169: {  	v4 =	vmov s18  }
0x16a: {  	v3 =	vmov s6;
	_ =	sdelay $0x2  }
0x16b: {  	s17 =	simm.s32 $0x0  }
0x16c: {  	v11 =	vld.idx.msk [tilespmem:v4+s17+$0x20 ss:$0x1], $0xffff  }
0x16d: {  	v12 =	vld.idx.msk [tilespmem:v3+s17+$0x20 ss:$0x1], $0xffff  }
0x16e: {  	v13 =	vld.idx.msk [tilespmem:v4+s17+$0x30 ss:$0x1], $0xffff  }
0x16f: {  	v8 =	vld.idx.msk [tilespmem:v4+s17+$0x0 ss:$0x1], $0xffff  }
0x170: {  	v10 =	vld.idx.msk [tilespmem:v3+s17+$0x0 ss:$0x1], $0xffff  }
0x171: {  	v7 =	vld.idx.msk [tilespmem:v4+s17+$0xFFFFFFC0 ss:$0x1], $0xffff  }
0x172: {  	v9 =	vld.idx.msk [tilespmem:v3+s17+$0xFFFFFFC0 ss:$0x1], $0xffff  }
0x173: {  	v14 =	vld.idx.msk [tilespmem:v4+s17+$0xFFFFFFD0 ss:$0x1], $0xffff  }
0x174: {  	v15 =	vld.idx.msk [tilespmem:v3+s17+$0xFFFFFFD0 ss:$0x1], $0xffff  }
0x175: {  	v16 =	vld.idx.msk [tilespmem:v4+s17+$0xFFFFFFE0 ss:$0x1], $0xffff  }
0x176: {  	v17 =	vld.idx.msk [tilespmem:v3+s17+$0xFFFFFFE0 ss:$0x1], $0xffff  }
0x177: {  	v18 =	vld.idx.msk [tilespmem:v4+s17+$0xFFFFFFF0 ss:$0x1], $0xffff  }
0x178: {  	v19 =	vld.idx.msk [tilespmem:v3+s17+$0xFFFFFFF0 ss:$0x1], $0xffff  }
0x179: {  	v20 =	vld.idx.msk [tilespmem:v4+s17+$0x10 ss:$0x1], $0xffff  }
0x17a: {  	v21 =	vld.idx.msk [tilespmem:v3+s17+$0x10 ss:$0x1], $0xffff  }
0x17b: {  	s8 =	simm.s32 $0x400;
	v22 =	vld.idx.msk [tilespmem:v3+s17+$0x30 ss:$0x1], $0xffff  }
0x17c: {  	v5 =	vld.idx.msk [tilespmem:v4+s8+$0x20 ss:$0x1], $0xffff  }
0x17d: {  	v6 =	vld.idx.msk [tilespmem:v3+s8+$0x20 ss:$0x1], $0xffff;
	v23 =	vsub.f32 v7, v9;
	v14 =	vsub.f32 v14, v15  }
0x17e: {  	v9 =	vld.idx.msk [tilespmem:v4+s8+$0x30 ss:$0x1], $0xffff;
	v15 =	vsub.f32 v16, v17;
	v16 =	vsub.f32 v18, v19  }
0x17f: {  	v7 =	vld.idx.msk [tilespmem:v4+s8+$0x0 ss:$0x1], $0xffff;
	v18 =	vsub.f32 v8, v10;
	v17 =	vmul.f32 v23, v23;
	v14 =	vmul.f32 v14, v14  }
0x180: {  	v8 =	vld.idx.msk [tilespmem:v3+s8+$0x0 ss:$0x1], $0xffff;
	v19 =	vsub.f32 v20, v21;
	v15 =	vmul.f32 v15, v15;
	v16 =	vmul.f32 v16, v16  }
0x181: {  	v10 =	vld.idx.msk [tilespmem:v4+s8+$0xFFFFFFC0 ss:$0x1], $0xffff;
	v20 =	vsub.f32 v11, v12;
	v63 =	vsub.f32 v13, v22;
	v18 =	vmul.f32 v18, v18  }
0x182: {  	v11 =	vld.idx.msk [tilespmem:v3+s8+$0xFFFFFFC0 ss:$0x1], $0xffff;
	v15 =	vadd.f32 v15, v17;
	v14 =	vadd.f32 v16, v14;
	v16 =	vmul.f32 v19, v19  }
0x183: {  	v12 =	vld.idx.msk [tilespmem:v4+s8+$0xFFFFFFD0 ss:$0x1], $0xffff;
	v17 =	vmul.f32 v20, v20  }
0x184: {  	v13 =	vld.idx.msk [tilespmem:v3+s8+$0xFFFFFFD0 ss:$0x1], $0xffff;
	v20 =	vmul.f32 v63, v63;
	v18 =	vadd.f32 v18, v15;
	v19 =	vadd.f32 v16, v14  }
0x185: {  	v14 =	vld.idx.msk [tilespmem:v4+s8+$0xFFFFFFE0 ss:$0x1], $0xffff  }
0x186: {  	v15 =	vld.idx.msk [tilespmem:v3+s8+$0xFFFFFFE0 ss:$0x1], $0xffff;
	v16 =	vadd.f32 v17, v18;
	v17 =	vadd.f32 v20, v19  }
0x187: {  	s17 =	simm.s32 $0x2000;
	v18 =	vld.idx.msk [tilespmem:v4+s8+$0xFFFFFFF0 ss:$0x1], $0xffff  }
.LBB2_16:
0x188: {  	p1 =	sne.s32 s17, $0x7000;
	v19 =	vld.idx.msk [tilespmem:v3+s8+$0xFFFFFFF0 ss:$0x1], $0xffff;
	v16 =	vadd.f32 v17, v16  }
0x189: {  	v17 =	vld.idx.msk [tilespmem:v4+s8+$0x10 ss:$0x1], $0xffff  }
0x18a: {  	v20 =	vld.idx.msk [tilespmem:v3+s8+$0x10 ss:$0x1], $0xffff;
	v2 =	vadd.f32 v16, v2  }
0x18b: {  	v16 =	vld.idx.msk [tilespmem:v3+s8+$0x30 ss:$0x1], $0xffff;
	s8 =	sshra.s32 s17, $0x2  }
0x18c: {  	v21 =	vld.idx.msk [tilespmem:v4+s8+$0x20 ss:$0x1], $0xffff  }
0x18d: {  	v10 =	vsub.f32 v10, v11;
	v11 =	vsub.f32 v12, v13;
	v22 =	vld.idx.msk [tilespmem:v3+s8+$0x20 ss:$0x1], $0xffff  }
0x18e: {  	v12 =	vsub.f32 v14, v15;
	v13 =	vsub.f32 v18, v19;
	v23 =	vld.idx.msk [tilespmem:v4+s8+$0x30 ss:$0x1], $0xffff  }
0x18f: {  	v14 =	vmul.f32 v10, v10;
	v15 =	vmul.f32 v11, v11;
	v11 =	vsub.f32 v7, v8;
	v7 =	vld.idx.msk [tilespmem:v4+s8+$0x0 ss:$0x1], $0xffff  }
0x190: {  	v12 =	vmul.f32 v12, v12;
	v13 =	vmul.f32 v13, v13;
	v17 =	vsub.f32 v17, v20;
	v8 =	vld.idx.msk [tilespmem:v3+s8+$0x0 ss:$0x1], $0xffff  }
0x191: {  	v18 =	vmul.f32 v11, v11;
	v19 =	vsub.f32 v5, v6;
	v9 =	vsub.f32 v9, v16;
	v10 =	vld.idx.msk [tilespmem:v4+s8+$0xFFFFFFC0 ss:$0x1], $0xffff  }
0x192: {  	v14 =	vadd.f32 v12, v14;
	v15 =	vadd.f32 v13, v15;
	v16 =	vmul.f32 v17, v17;
	v11 =	vld.idx.msk [tilespmem:v3+s8+$0xFFFFFFC0 ss:$0x1], $0xffff  }
.Ltmp8:
0x193: {  	v17 =	vmul.f32 v19, v19;
	v5 =	vmov v21;
	v6 =	vmov v22;
	v12 =	vld.idx.msk [tilespmem:v4+s8+$0xFFFFFFD0 ss:$0x1], $0xffff;
	(pc) =	sbr.rel @p1 .LBB2_16-.Ltmp8, $4  }
0x194: {  	v18 =	vadd.f32 v18, v14;
	v20 =	vmul.f32 v9, v9;
	v19 =	vadd.f32 v16, v15;
	v13 =	vld.idx.msk [tilespmem:v3+s8+$0xFFFFFFD0 ss:$0x1], $0xffff  }
0x195: {  	v9 =	vmov v23;
	v14 =	vld.idx.msk [tilespmem:v4+s8+$0xFFFFFFE0 ss:$0x1], $0xffff  }
0x196: {  	v16 =	vadd.f32 v17, v18;
	v17 =	vadd.f32 v20, v19;
	v15 =	vld.idx.msk [tilespmem:v3+s8+$0xFFFFFFE0 ss:$0x1], $0xffff  }
0x197: {  	s17 =	sadd.s32 $0x1000, s17;
	v18 =	vld.idx.msk [tilespmem:v4+s8+$0xFFFFFFF0 ss:$0x1], $0xffff  }
0x198: {  	_ =	sdelay $0x3  }
0x199: {  	v19 =	vld.idx.msk [tilespmem:v3+s8+$0xFFFFFFF0 ss:$0x1], $0xffff  }
0x19a: {  	v4 =	vld.idx.msk [tilespmem:v4+s8+$0x10 ss:$0x1], $0xffff  }
0x19b: {  	v20 =	vld.idx.msk [tilespmem:v3+s8+$0x10 ss:$0x1], $0xffff  }
0x19c: {  	v3 =	vld.idx.msk [tilespmem:v3+s8+$0x30 ss:$0x1], $0xffff  }
0x19d: {  	v10 =	vsub.f32 v10, v11;
	v56 =	vsub.f32 v12, v13  }
0x19e: {  	v57 =	vsub.f32 v14, v15;
	v58 =	vsub.f32 v18, v19  }
0x19f: {  	v7 =	vsub.f32 v7, v8;
	v10 =	vmul.f32 v10, v10;
	v11 =	vmul.f32 v56, v56  }
0x1a0: {  	v59 =	vmul.f32 v57, v57;
	v4 =	vsub.f32 v4, v20;
	v60 =	vmul.f32 v58, v58  }
0x1a1: {  	v5 =	vsub.f32 v5, v6;
	v7 =	vmul.f32 v7, v7;
	v3 =	vsub.f32 v9, v3  }
0x1a2: {  	v61 =	vadd.f32 v59, v10;
	v4 =	vmul.f32 v4, v4;
	v62 =	vadd.f32 v60, v11  }
0x1a3: {  	v5 =	vmul.f32 v5, v5  }
0x1a4: {  	v3 =	vmul.f32 v3, v3;
	v6 =	vadd.f32 v7, v61;
	v4 =	vadd.f32 v4, v62  }
0x1a5: {  	v63 =	vadd.f32 v17, v16;
	s14 =	sadd.s32 $0x1, s14  }
0x1a6: {  	p1 =	sne.s32 s14, $0x8;
	v5 =	vadd.f32 v5, v6;
	v3 =	vadd.f32 v3, v4  }
.Ltmp9:
0x1a7: {  	_ = 	snop;
	(pc) =	sbr.rel @p1 .LBB2_15-.Ltmp9, $3  }
0x1a8: {  	v2 =	vadd.f32 v63, v2;
	v3 =	vadd.f32 v3, v5;
	_ =	sdelay $0x1  }
0x1a9: {  	v2 =	vadd.f32 v3, v2  }
0x1aa: {  	s6 =	sadd.s32 $0x80, s6;
	s18 =	sadd.s32 $0x80, s18  }
.Ltmp10:
0x1ab: {  	(pc) =	sbr.rel @p0 .LBB2_20-.Ltmp10, $1  }
0x1ac: {  	_ =	sdelay $0x3  }
0x1ad: {  	s6 =	sadd.s32 $0x30, s13  }
0x1ae: {  	s6 =	sadd.s32 s5, s6  }
0x1af: {  	s6 =	sshll.u32 s6, $0x7  }
0x1b0: {  	s8 =	simm.s32 $0x8080;
	s6 =	sadd.s32 s1, s6  }
0x1b1: {  	[tilespmem:s8], [sflag:$0x5] =	stream.linear.gather [hbm4b:s6+s4], $0x2000, $0x38;
	[tilespmem:$0x10100] =	vst v63  }
0x1b2: {  	v3 =	vld.msk [tilespmem:s13+$0x30], $0xff;
	_ =	sdelay $0x4  }
0x1b3: {  	v4 =	vshll.u32 v3, $0x3  }
0x1b4: {  	v3 =	vand.u32 $0x7, v3;
	v4 =	vand.u32 $0xFFFFFFC0, v4  }
0x1b5: {  	v3 =	vor.u32 v3, v4  }
0x1b6: {  	v3 =	vperm.xlane v3, v0;
	_ =	sdelay $0x1  }
0x1b7: {  	v3 =	vadd.s32 v1, v3;
	_ =	sdelay $0x4  }
0x1b8: {  	[tilespmem:s28], [sflag:$0x6] =	stream.indirect_vreg.gather [hbm4b:s3+s4], $0x80, v3, vm0, $0xb8;
	[tilespmem:$0x10100] =	vst v63  }
0x1b9: {  	_ = 	snop  }
0x1ba: {  	[tilespmem:s29], [sflag:$0x6] =	stream.indirect_vreg.gather [hbm4b:s10+s4], $0x80, v3, vm0, $0xb8;
	[tilespmem:$0x10100] =	vst v63  }
.Ltmp11:
0x1bb: {  	_ = 	snop;
	(pc) =	sbr.rel .LBB2_2-.Ltmp11, $4  }
0x1bc: {  	_ = 	snop  }
0x1bd: {  	[tilespmem:s30], [sflag:$0x6] =	stream.indirect_vreg.gather [hbm4b:s11+s4], $0x80, v3, vm0, $0xb8;
	[tilespmem:$0x10100] =	vst v63  }
0x1be: {  	s9 =	sadd.s32 $0x1, s9  }
0x1bf: {  	[tilespmem:s31], [sflag:$0x6] =	stream.indirect_vreg.gather [hbm4b:s12+s4], $0x80, v3, vm0, $0xb8;
	[tilespmem:$0x10100] =	vst v63  }
.LBB2_21:
0x1c0: {  	_ =	sfence.sel $0x180000  }
0x1c1: {  	[bflag:$0x0] =	sbarrier.arrive $0xFFFF  }
0x1c2: {  	_ =	strace $0x90000047  }
0x1c3: {  	s0 =	stileid.u32;
	[bflag:$0x2] =	sbarrier.arrive $0xFFFF  }
0x1c4: {  	p0 =	sne.s32 s0, $0x0;
	s0 =	rddreg [dreg:$0x4]  }
0x1c5: {  	s0 =	sadd.s32 @!p0 $0x100000, s0  }
0x1c6: {  	[sflag:s0] =	ssyncadd.tile.s32 @!p0 $0x1;
	_ =	shalt  }
.Lfunc_end2:
_tile_overlayer_lowered:
.L_overlay_start_2:
0x1c7: {  	(tag) =	ssettag $0x2  }
0x1c8: {  	s0 =	rddreg [dreg:$0x0];
	s2 =	stileid.u32  }
0x1c9: {  	s1 =	rddreg [dreg:$0x1];
	p0 =	sne.s32 s2, $0x0  }
0x1ca: {  	s3 =	rddreg [dreg:$0x2];
	[bflag:$0x3] =	sbarrier.arrive $0xFFFF;
	s2 =	simm.s32 @!p0 $0x1C09  }
0x1cb: {  	[timem:s3], [sflag:s2] =	dma.local @!p0 [hbm:s0], s1  }
0x1cc: {  	s0 =	simm.s32 @!p0 $0x9  }
0x1cd: {  	_ =	swait.ge @!p0 [sflag:s0], s1  }
0x1ce: {  	s1 =	ssub.s32 @!p0 $0x0, s1;
	[sflag:s0] =	ssyncset.done @!p0 $0x0  }
0x1cf: {  	[sflag:s0] =	ssyncadd.s32 @!p0 s1  }
0x1d0: {  	[bflag:$0x3] =	sbarrier.arrive $0xFFFF  }
0x1d1: {  	_ =	shalt  }

</sc_bundles>
